<compile_context>
chip_gen: v7x
topology: tpu7x:2x2x1
jax: 0.10.2.dev20260603
libtpu: 0.0.44.dev20260713+nightly
codegen_flags: <defaults>
</compile_context>

<pallas_src>
import functools

import jax
import jax.numpy as jnp
from jax import lax
from jax.experimental import pallas as pl
from jax.experimental.pallas import tpu as pltpu
from jax.experimental.pallas import tpu_sc as plsc

N_FRAG = 1600000
N_SEG = 100000
N_FREQ = 10

NW = 32
CHUNK = 128
CPW = 392
PAD_N = NW * CPW * CHUNK
ROWS = PAD_N // CHUNK
FIRE = 14
OUTER = 28

S1_ROWS = 1250
S1_COLS = 1280
S1_BLK = 128

_INV_PI = 0.3183098861837907
_PI = 3.141592653589793
_S2 = -0.16666666641626524
_S4 = 0.008333329385889463
_S6 = -0.00019840874
_S8 = 2.7525562e-06


def _fast_sin(t):
    k = jnp.round(t * _INV_PI)
    r = t - k * _PI
    odd = (k.astype(jnp.int32) & 1) << 31
    r2 = r * r
    p = _S8
    p = p * r2 + _S6
    p = p * r2 + _S4
    p = p * r2 + _S2
    s = r + r * (r2 * p)
    return lax.bitcast_convert_type(
        lax.bitcast_convert_type(s, jnp.int32) ^ odd, jnp.float32)


def _embed_body(p_ref, x0_ref, x1_ref, o_ref):
    x0 = x0_ref[...]
    x1 = x1_ref[...]
    acc = jnp.zeros_like(x0)
    for j in range(N_FREQ):
        f = p_ref[0, j]
        acc = acc + p_ref[1, j] * _fast_sin(x0 * f + p_ref[2, j])
        acc = acc + p_ref[3, j] * _fast_sin(x1 * f + p_ref[4, j])
    o_ref[...] = acc


_embed = pl.pallas_call(
    _embed_body,
    grid=(S1_COLS // S1_BLK,),
    in_specs=[
        pl.BlockSpec(memory_space=pltpu.SMEM),
        pl.BlockSpec((S1_ROWS, S1_BLK), lambda i: (0, i)),
        pl.BlockSpec((S1_ROWS, S1_BLK), lambda i: (0, i)),
    ],
    out_specs=pl.BlockSpec((S1_ROWS, S1_BLK), lambda i: (0, i)),
    out_shape=jax.ShapeDtypeStruct((S1_ROWS, S1_COLS), jnp.float32),
)


def _scatter_body(seg_hbm, val_hbm, zero_hbm, out_hbm,
                  ids_v, vals_v, acc, sem_in, sem_sc):
    c = lax.axis_index("c")
    s = lax.axis_index("s")
    wid = s * 2 + c
    row0 = wid * CPW

    cp_i = pltpu.async_copy(seg_hbm.at[pl.ds(row0, CPW)], ids_v, sem_in)
    cp_v = pltpu.async_copy(val_hbm.at[pl.ds(row0, CPW)], vals_v, sem_in)

    @pl.when(s == 0)
    def _():
        pltpu.sync_copy(zero_hbm, acc)

    cp_i.wait()
    cp_v.wait()
    plsc.subcore_barrier()

    def outer_body(o, carry):
        descs = []
        for k in range(FIRE):
            j = o * FIRE + k
            descs.append(
                pltpu.async_copy(vals_v.at[j], acc.at[ids_v.at[j]],
                                 sem_sc, add=True))
        for d in descs:
            d.wait()
        return carry

    lax.fori_loop(0, OUTER, outer_body, 0)
    plsc.subcore_barrier()

    @pl.when(s == 0)
    def _():
        pltpu.sync_copy(acc, out_hbm.at[c])


@functools.cache
def _make_scatter():
    return functools.partial(
        pl.kernel,
        out_type=jax.ShapeDtypeStruct((2, N_SEG), jnp.float32),
        mesh=plsc.VectorSubcoreMesh(core_axis_name="c", subcore_axis_name="s"),
        scratch_types=[
            pltpu.VMEM((CPW, CHUNK), jnp.int32),
            pltpu.VMEM((CPW, CHUNK), jnp.float32),
            pltpu.VMEM_SHARED((N_SEG,), jnp.float32),
            pltpu.SemaphoreType.DMA,
            pltpu.SemaphoreType.DMA,
        ],
    )(_scatter_body)


def _combine_body(p_ref, b_ref, o_ref):
    o_ref[...] = p_ref[0] + p_ref[1] + b_ref[...]


def _combine(partials, bias_row, cell_n_static, gene_n_static):
    return pl.pallas_call(
        _combine_body,
        out_shape=jax.ShapeDtypeStruct((cell_n_static, gene_n_static),
                                       jnp.float32),
    )(partials, bias_row)


def kernel(fragment_coordinates, fragment_cellxgene_ix, cell_n, gene_n,
           gene_ix, weight1, bias1):
    gene_n_static = gene_ix.shape[0]
    cell_n_static = 1000
    num_segments = cell_n_static * gene_n_static

    i = jnp.arange(1, N_FREQ + 1, dtype=jnp.float32)
    freqs = 1.0 / (100.0 ** (2.0 * i / N_FREQ))
    w = weight1.reshape(2, N_FREQ, 2)
    a = w[:, :, 0]
    b = w[:, :, 1]
    r = jnp.sqrt(a * a + b * b)
    phi = jnp.arctan2(b, a)
    params = jnp.stack([freqs, r[0], phi[0], r[1], phi[1]]).astype(jnp.float32)

    xt = fragment_coordinates.T.reshape(2, S1_ROWS, S1_COLS)
    vals = _embed(params, xt[0], xt[1]).reshape(-1)

    seg = (fragment_cellxgene_ix
           + (cell_n * gene_n - num_segments)).astype(jnp.int32)
    n_pad = PAD_N - N_FRAG
    pad_ids = jnp.arange(n_pad, dtype=jnp.int32) % num_segments
    seg_p = jnp.concatenate([seg, pad_ids]).reshape(ROWS, CHUNK)
    val_p = jnp.concatenate(
        [vals, jnp.zeros((n_pad,), jnp.float32)]).reshape(ROWS, CHUNK)

    partials = _make_scatter()(seg_p, val_p, jnp.zeros((N_SEG,), jnp.float32))

    bias_row = bias1[gene_ix].reshape(1, gene_n_static).astype(jnp.float32)
    return _combine(partials.reshape(2, cell_n_static, gene_n_static),
                    bias_row, cell_n_static, gene_n_static)

# --- scband reference (transcript-rebuilt; emitter-appended) ---
"""Pipeline reference for scband-fragments-to-expression-25769803776509 (READ-ONLY COPY).

The authoritative reference and input builder live on the scoring server;
editing this copy changes nothing except your own understanding.
"""

import jax, jax.numpy as jnp
import numpy as np

N_FRAG = 1600000
CELL_N = 1000
GENE_N = 100
N_GENES = 100
N_FREQ = 10
EMB_DIM = N_FREQ * 2 * 2  # 40


def setup_inputs(seed: int = 0) -> dict:
    key = jax.random.key(seed)
    k1, k2, k3, k4 = jax.random.split(key, 4)
    fragment_coordinates = jax.random.normal(k1, (N_FRAG, 2), dtype=jnp.float32)
    fragment_cellxgene_ix = jnp.sort(
        jax.random.randint(k2, (N_FRAG,), 0, CELL_N * GENE_N, dtype=jnp.int32)
    )
    gene_ix = jnp.arange(GENE_N, dtype=jnp.int32)
    # Parameters. Original inits weight1 to zeros (degenerate); use small normal
    # so the computation/gradients are non-trivial. bias1 = mean_gene_expression.
    weight1 = jax.random.normal(k3, (1, EMB_DIM), dtype=jnp.float32) * 0.02
    bias1 = jax.random.normal(k4, (N_GENES,), dtype=jnp.float32) * 0.1
    return {
        "fragment_coordinates": fragment_coordinates,
        "fragment_cellxgene_ix": fragment_cellxgene_ix,
        "cell_n": CELL_N,
        "gene_n": GENE_N,
        "gene_ix": gene_ix,
        "weight1": weight1,
        "bias1": bias1,
    }


def _fragment_embed(coordinates, n_freq):
    i = jnp.arange(1, n_freq + 1, dtype=jnp.float32)
    freqs = jnp.repeat(1.0 / (100.0 ** (2.0 * i / n_freq)), 2)  # [2*n_freq]
    shifts = jnp.tile(jnp.array([0.0, np.pi / 2], dtype=jnp.float32), n_freq)  # [2*n_freq]
    x = coordinates[..., None] * freqs + shifts  # [N, 2, 2*n_freq]
    return jnp.sin(x.reshape(coordinates.shape[0], -1))  # [N, 4*n_freq]


def reference(fragment_coordinates, fragment_cellxgene_ix, cell_n, gene_n, gene_ix, weight1, bias1):
    embedding = _fragment_embed(fragment_coordinates, N_FREQ)
    gene_n_static = gene_ix.shape[0]
    cell_n_static = CELL_N
    num_segments = cell_n_static * gene_n_static
    segment_ids = fragment_cellxgene_ix + (cell_n * gene_n - num_segments)
    cellxgene_embedding = jax.ops.segment_sum(
        embedding, segment_ids, num_segments=num_segments
    )
    cell_gene_embedding = cellxgene_embedding.reshape(cell_n_static, gene_n_static, -1)
    # einsum('abc,bc->ab') with weight1 shape [1, C] (broadcast over genes)
    expression = (cell_gene_embedding * weight1[None, :, :]).sum(-1) + bias1[gene_ix]
    return expression

if __name__ == "__main__":
    import jax
    _d = setup_inputs()
    print(jax.jit(kernel)(*tuple(_d.values())))

</pallas_src>

<mosaic_0001>
#map = affine_map<(d0, d1) -> (0, 0)>
#map1 = affine_map<(d0, d1) -> (0)>
module attributes {stable_mosaic.version = 14 : i64} {
  func.func @_scatter_body(%arg0: i32, %arg1: i32, %arg2: memref<12544x128xi32, #tpu.memory_space<hbm>>, %arg3: memref<12544x128xf32, #tpu.memory_space<hbm>>, %arg4: memref<100000xf32, #tpu.memory_space<hbm>>, %arg5: memref<2x100000xf32, #tpu.memory_space<hbm>>, %arg6: memref<392x128xi32, #tpu.memory_space<vmem>>, %arg7: memref<392x128xf32, #tpu.memory_space<vmem>>, %arg8: memref<100000xf32, #tpu.memory_space<vmem_shared>>, %arg9: memref<!tpu.dma_semaphore, #tpu.memory_space<semaphore_mem>>, %arg10: memref<!tpu.dma_semaphore, #tpu.memory_space<semaphore_mem>>) attributes {dimension_semantics = [#tpu.dimension_semantics<core_parallel>, #tpu.dimension_semantics<subcore_parallel>], iteration_bounds = array<i64: 2, 16>, scalar_prefetch = 0 : i64, scratch_operands = 5 : i64, tpu.core_type = #tpu.core_type<sc_vector_subcore>, window_params = [{transform_indices = #map}, {transform_indices = #map}, {transform_indices = #map1}, {transform_indices = #map}]} {
    %mul3A = arith.constant 2 : i32
    %mul3A_0 = arith.muli %arg1, %mul3A : i32
    %add3A = arith.addi %mul3A_0, %arg0 : i32
    %mul3A_1 = arith.constant 392 : i32
    %mul3A_2 = arith.muli %add3A, %mul3A_1 : i32
    %dma_start3A = arith.constant 0 : i32
    %dma_start3A_3 = tpu.memref_slice %arg2[%mul3A_2, %dma_start3A] : memref<12544x128xi32, #tpu.memory_space<hbm>> -> memref<392x128xi32, #tpu.memory_space<hbm>>
    %dma_start3A_4 = arith.constant 0 : i32
    %dma_start3A_5 = tpu.memref_slice %arg2[%mul3A_2, %dma_start3A_4] : memref<12544x128xi32, #tpu.memory_space<hbm>> -> memref<392x128xi32, #tpu.memory_space<hbm>>
    tpu.enqueue_dma source(%dma_start3A_5 : memref<392x128xi32, #tpu.memory_space<hbm>>) target(%arg6 : memref<392x128xi32, #tpu.memory_space<vmem>>) target_semaphore(%arg9 : memref<!tpu.dma_semaphore, #tpu.memory_space<semaphore_mem>>)
    %dma_start3A_6 = arith.constant 0 : i32
    %dma_start3A_7 = tpu.memref_slice %arg3[%mul3A_2, %dma_start3A_6] : memref<12544x128xf32, #tpu.memory_space<hbm>> -> memref<392x128xf32, #tpu.memory_space<hbm>>
    %dma_start3A_8 = arith.constant 0 : i32
    %dma_start3A_9 = tpu.memref_slice %arg3[%mul3A_2, %dma_start3A_8] : memref<12544x128xf32, #tpu.memory_space<hbm>> -> memref<392x128xf32, #tpu.memory_space<hbm>>
    tpu.enqueue_dma source(%dma_start3A_9 : memref<392x128xf32, #tpu.memory_space<hbm>>) target(%arg7 : memref<392x128xf32, #tpu.memory_space<vmem>>) target_semaphore(%arg9 : memref<!tpu.dma_semaphore, #tpu.memory_space<semaphore_mem>>)
    %eq3A = arith.constant 0 : i32
    %eq3A_10 = arith.cmpi eq, %arg1, %eq3A : i32
    %convert_element_type3A = arith.extui %eq3A_10 : i1 to i32
    %cond3A = arith.constant 0 : i32
    %cond3A_11 = arith.cmpi ne, %convert_element_type3A, %cond3A : i32
    scf.if %cond3A_11 {
      "tpu.region"() ({
        %run_scoped3A = tpu.sem_alloc : memref<!tpu.dma_semaphore, #tpu.memory_space<semaphore_mem>>
        tpu.enqueue_dma source(%arg4 : memref<100000xf32, #tpu.memory_space<hbm>>) target(%arg8 : memref<100000xf32, #tpu.memory_space<vmem_shared>>) target_semaphore(%run_scoped3A : memref<!tpu.dma_semaphore, #tpu.memory_space<semaphore_mem>>)
        tpu.wait_dma2 semaphore(%run_scoped3A : memref<!tpu.dma_semaphore, #tpu.memory_space<semaphore_mem>>) src(%arg4 : memref<100000xf32, #tpu.memory_space<hbm>>) dst(%arg8 : memref<100000xf32, #tpu.memory_space<vmem_shared>>)
        tpu.yield
      }) : () -> ()
    } else {
    }
    %dma_wait3A = arith.constant 0 : i32
    %dma_wait3A_12 = tpu.memref_slice %arg2[%mul3A_2, %dma_wait3A] : memref<12544x128xi32, #tpu.memory_space<hbm>> -> memref<392x128xi32, #tpu.memory_space<hbm>>
    %dma_wait3A_13 = arith.constant 0 : i32
    %dma_wait3A_14 = tpu.memref_slice %arg2[%mul3A_2, %dma_wait3A_13] : memref<12544x128xi32, #tpu.memory_space<hbm>> -> memref<392x128xi32, #tpu.memory_space<hbm>>
    tpu.wait_dma2 semaphore(%arg9 : memref<!tpu.dma_semaphore, #tpu.memory_space<semaphore_mem>>) src(%dma_wait3A_14 : memref<392x128xi32, #tpu.memory_space<hbm>>) dst(%arg6 : memref<392x128xi32, #tpu.memory_space<vmem>>)
    %dma_wait3A_15 = arith.constant 0 : i32
    %dma_wait3A_16 = tpu.memref_slice %arg3[%mul3A_2, %dma_wait3A_15] : memref<12544x128xf32, #tpu.memory_space<hbm>> -> memref<392x128xf32, #tpu.memory_space<hbm>>
    %dma_wait3A_17 = arith.constant 0 : i32
    %dma_wait3A_18 = tpu.memref_slice %arg3[%mul3A_2, %dma_wait3A_17] : memref<12544x128xf32, #tpu.memory_space<hbm>> -> memref<392x128xf32, #tpu.memory_space<hbm>>
    tpu.wait_dma2 semaphore(%arg9 : memref<!tpu.dma_semaphore, #tpu.memory_space<semaphore_mem>>) src(%dma_wait3A_18 : memref<392x128xf32, #tpu.memory_space<hbm>>) dst(%arg7 : memref<392x128xf32, #tpu.memory_space<vmem>>)
    %barrier3A = arith.constant 0 : index
    tpu.barrier barrier_id(%barrier3A)
    %scan3A = arith.constant 0 : i32
    %scan3A_19 = arith.constant 0 : i32
    %scan3A_20 = arith.constant 28 : i32
    %scan3A_21 = arith.addi %scan3A_19, %scan3A_20 : i32
    %scan3A_22 = arith.constant 1 : i32
    scf.for %scan3A_30 = %scan3A_19 to %scan3A_21 step %scan3A_22  : i32 {
      %mul3A_31 = arith.constant 14 : i32
      %mul3A_32 = arith.muli %scan3A_30, %mul3A_31 : i32
      %add3A_33 = arith.constant 0 : i32
      %add3A_34 = arith.addi %mul3A_32, %add3A_33 : i32
      %dma_start3A_35 = arith.constant 0 : i32
      %dma_start3A_36 = tpu.memref_slice %arg7[%add3A_34, %dma_start3A_35] : memref<392x128xf32, #tpu.memory_space<vmem>> -> memref<1x128xf32, #tpu.memory_space<vmem>>
      %dma_start3A_37 = tpu.memref_squeeze %dma_start3A_36 : memref<1x128xf32, #tpu.memory_space<vmem>> -> memref<128xf32, #tpu.memory_space<vmem>>
      %dma_start3A_38 = arith.constant 0 : i32
      %dma_start3A_39 = tpu.memref_slice %arg6[%add3A_34, %dma_start3A_38] : memref<392x128xi32, #tpu.memory_space<vmem>> -> memref<1x128xi32, #tpu.memory_space<vmem>>
      %dma_start3A_40 = tpu.memref_squeeze %dma_start3A_39 : memref<1x128xi32, #tpu.memory_space<vmem>> -> memref<128xi32, #tpu.memory_space<vmem>>
      %dma_start3A_41 = arith.constant 0 : i32
      %dma_start3A_42 = tpu.memref_slice %arg8[%dma_start3A_41] : memref<100000xf32, #tpu.memory_space<vmem_shared>> -> memref<100000xf32, #tpu.memory_space<vmem_shared>>
      tpu.enqueue_indirect_dma source(%dma_start3A_37 : memref<128xf32, #tpu.memory_space<vmem>>) target(%dma_start3A_42 : memref<100000xf32, #tpu.memory_space<vmem_shared>>) offsets(%dma_start3A_40 : memref<128xi32, #tpu.memory_space<vmem>>) semaphore(%arg10 : memref<!tpu.dma_semaphore, #tpu.memory_space<semaphore_mem>>) {add = true}
      %mul3A_43 = arith.constant 14 : i32
      %mul3A_44 = arith.muli %scan3A_30, %mul3A_43 : i32
      %add3A_45 = arith.constant 1 : i32
      %add3A_46 = arith.addi %mul3A_44, %add3A_45 : i32
      %dma_start3A_47 = arith.constant 0 : i32
      %dma_start3A_48 = tpu.memref_slice %arg7[%add3A_46, %dma_start3A_47] : memref<392x128xf32, #tpu.memory_space<vmem>> -> memref<1x128xf32, #tpu.memory_space<vmem>>
      %dma_start3A_49 = tpu.memref_squeeze %dma_start3A_48 : memref<1x128xf32, #tpu.memory_space<vmem>> -> memref<128xf32, #tpu.memory_space<vmem>>
      %dma_start3A_50 = arith.constant 0 : i32
      %dma_start3A_51 = tpu.memref_slice %arg6[%add3A_46, %dma_start3A_50] : memref<392x128xi32, #tpu.memory_space<vmem>> -> memref<1x128xi32, #tpu.memory_space<vmem>>
      %dma_start3A_52 = tpu.memref_squeeze %dma_start3A_51 : memref<1x128xi32, #tpu.memory_space<vmem>> -> memref<128xi32, #tpu.memory_space<vmem>>
      %dma_start3A_53 = arith.constant 0 : i32
      %dma_start3A_54 = tpu.memref_slice %arg8[%dma_start3A_53] : memref<100000xf32, #tpu.memory_space<vmem_shared>> -> memref<100000xf32, #tpu.memory_space<vmem_shared>>
      tpu.enqueue_indirect_dma source(%dma_start3A_49 : memref<128xf32, #tpu.memory_space<vmem>>) target(%dma_start3A_54 : memref<100000xf32, #tpu.memory_space<vmem_shared>>) offsets(%dma_start3A_52 : memref<128xi32, #tpu.memory_space<vmem>>) semaphore(%arg10 : memref<!tpu.dma_semaphore, #tpu.memory_space<semaphore_mem>>) {add = true}
      %mul3A_55 = arith.constant 14 : i32
      %mul3A_56 = arith.muli %scan3A_30, %mul3A_55 : i32
      %add3A_57 = arith.constant 2 : i32
      %add3A_58 = arith.addi %mul3A_56, %add3A_57 : i32
      %dma_start3A_59 = arith.constant 0 : i32
      %dma_start3A_60 = tpu.memref_slice %arg7[%add3A_58, %dma_start3A_59] : memref<392x128xf32, #tpu.memory_space<vmem>> -> memref<1x128xf32, #tpu.memory_space<vmem>>
      %dma_start3A_61 = tpu.memref_squeeze %dma_start3A_60 : memref<1x128xf32, #tpu.memory_space<vmem>> -> memref<128xf32, #tpu.memory_space<vmem>>
      %dma_start3A_62 = arith.constant 0 : i32
      %dma_start3A_63 = tpu.memref_slice %arg6[%add3A_58, %dma_start3A_62] : memref<392x128xi32, #tpu.memory_space<vmem>> -> memref<1x128xi32, #tpu.memory_space<vmem>>
      %dma_start3A_64 = tpu.memref_squeeze %dma_start3A_63 : memref<1x128xi32, #tpu.memory_space<vmem>> -> memref<128xi32, #tpu.memory_space<vmem>>
      %dma_start3A_65 = arith.constant 0 : i32
      %dma_start3A_66 = tpu.memref_slice %arg8[%dma_start3A_65] : memref<100000xf32, #tpu.memory_space<vmem_shared>> -> memref<100000xf32, #tpu.memory_space<vmem_shared>>
      tpu.enqueue_indirect_dma source(%dma_start3A_61 : memref<128xf32, #tpu.memory_space<vmem>>) target(%dma_start3A_66 : memref<100000xf32, #tpu.memory_space<vmem_shared>>) offsets(%dma_start3A_64 : memref<128xi32, #tpu.memory_space<vmem>>) semaphore(%arg10 : memref<!tpu.dma_semaphore, #tpu.memory_space<semaphore_mem>>) {add = true}
      %mul3A_67 = arith.constant 14 : i32
      %mul3A_68 = arith.muli %scan3A_30, %mul3A_67 : i32
      %add3A_69 = arith.constant 3 : i32
      %add3A_70 = arith.addi %mul3A_68, %add3A_69 : i32
      %dma_start3A_71 = arith.constant 0 : i32
      %dma_start3A_72 = tpu.memref_slice %arg7[%add3A_70, %dma_start3A_71] : memref<392x128xf32, #tpu.memory_space<vmem>> -> memref<1x128xf32, #tpu.memory_space<vmem>>
      %dma_start3A_73 = tpu.memref_squeeze %dma_start3A_72 : memref<1x128xf32, #tpu.memory_space<vmem>> -> memref<128xf32, #tpu.memory_space<vmem>>
      %dma_start3A_74 = arith.constant 0 : i32
      %dma_start3A_75 = tpu.memref_slice %arg6[%add3A_70, %dma_start3A_74] : memref<392x128xi32, #tpu.memory_space<vmem>> -> memref<1x128xi32, #tpu.memory_space<vmem>>
      %dma_start3A_76 = tpu.memref_squeeze %dma_start3A_75 : memref<1x128xi32, #tpu.memory_space<vmem>> -> memref<128xi32, #tpu.memory_space<vmem>>
      %dma_start3A_77 = arith.constant 0 : i32
      %dma_start3A_78 = tpu.memref_slice %arg8[%dma_start3A_77] : memref<100000xf32, #tpu.memory_space<vmem_shared>> -> memref<100000xf32, #tpu.memory_space<vmem_shared>>
      tpu.enqueue_indirect_dma source(%dma_start3A_73 : memref<128xf32, #tpu.memory_space<vmem>>) target(%dma_start3A_78 : memref<100000xf32, #tpu.memory_space<vmem_shared>>) offsets(%dma_start3A_76 : memref<128xi32, #tpu.memory_space<vmem>>) semaphore(%arg10 : memref<!tpu.dma_semaphore, #tpu.memory_space<semaphore_mem>>) {add = true}
      %mul3A_79 = arith.constant 14 : i32
      %mul3A_80 = arith.muli %scan3A_30, %mul3A_79 : i32
      %add3A_81 = arith.constant 4 : i32
      %add3A_82 = arith.addi %mul3A_80, %add3A_81 : i32
      %dma_start3A_83 = arith.constant 0 : i32
      %dma_start3A_84 = tpu.memref_slice %arg7[%add3A_82, %dma_start3A_83] : memref<392x128xf32, #tpu.memory_space<vmem>> -> memref<1x128xf32, #tpu.memory_space<vmem>>
      %dma_start3A_85 = tpu.memref_squeeze %dma_start3A_84 : memref<1x128xf32, #tpu.memory_space<vmem>> -> memref<128xf32, #tpu.memory_space<vmem>>
      %dma_start3A_86 = arith.constant 0 : i32
      %dma_start3A_87 = tpu.memref_slice %arg6[%add3A_82, %dma_start3A_86] : memref<392x128xi32, #tpu.memory_space<vmem>> -> memref<1x128xi32, #tpu.memory_space<vmem>>
      %dma_start3A_88 = tpu.memref_squeeze %dma_start3A_87 : memref<1x128xi32, #tpu.memory_space<vmem>> -> memref<128xi32, #tpu.memory_space<vmem>>
      %dma_start3A_89 = arith.constant 0 : i32
      %dma_start3A_90 = tpu.memref_slice %arg8[%dma_start3A_89] : memref<100000xf32, #tpu.memory_space<vmem_shared>> -> memref<100000xf32, #tpu.memory_space<vmem_shared>>
      tpu.enqueue_indirect_dma source(%dma_start3A_85 : memref<128xf32, #tpu.memory_space<vmem>>) target(%dma_start3A_90 : memref<100000xf32, #tpu.memory_space<vmem_shared>>) offsets(%dma_start3A_88 : memref<128xi32, #tpu.memory_space<vmem>>) semaphore(%arg10 : memref<!tpu.dma_semaphore, #tpu.memory_space<semaphore_mem>>) {add = true}
      %mul3A_91 = arith.constant 14 : i32
      %mul3A_92 = arith.muli %scan3A_30, %mul3A_91 : i32
      %add3A_93 = arith.constant 5 : i32
      %add3A_94 = arith.addi %mul3A_92, %add3A_93 : i32
      %dma_start3A_95 = arith.constant 0 : i32
      %dma_start3A_96 = tpu.memref_slice %arg7[%add3A_94, %dma_start3A_95] : memref<392x128xf32, #tpu.memory_space<vmem>> -> memref<1x128xf32, #tpu.memory_space<vmem>>
      %dma_start3A_97 = tpu.memref_squeeze %dma_start3A_96 : memref<1x128xf32, #tpu.memory_space<vmem>> -> memref<128xf32, #tpu.memory_space<vmem>>
      %dma_start3A_98 = arith.constant 0 : i32
      %dma_start3A_99 = tpu.memref_slice %arg6[%add3A_94, %dma_start3A_98] : memref<392x128xi32, #tpu.memory_space<vmem>> -> memref<1x128xi32, #tpu.memory_space<vmem>>
      %dma_start3A_100 = tpu.memref_squeeze %dma_start3A_99 : memref<1x128xi32, #tpu.memory_space<vmem>> -> memref<128xi32, #tpu.memory_space<vmem>>
      %dma_start3A_101 = arith.constant 0 : i32
      %dma_start3A_102 = tpu.memref_slice %arg8[%dma_start3A_101] : memref<100000xf32, #tpu.memory_space<vmem_shared>> -> memref<100000xf32, #tpu.memory_space<vmem_shared>>
      tpu.enqueue_indirect_dma source(%dma_start3A_97 : memref<128xf32, #tpu.memory_space<vmem>>) target(%dma_start3A_102 : memref<100000xf32, #tpu.memory_space<vmem_shared>>) offsets(%dma_start3A_100 : memref<128xi32, #tpu.memory_space<vmem>>) semaphore(%arg10 : memref<!tpu.dma_semaphore, #tpu.memory_space<semaphore_mem>>) {add = true}
      %mul3A_103 = arith.constant 14 : i32
      %mul3A_104 = arith.muli %scan3A_30, %mul3A_103 : i32
      %add3A_105 = arith.constant 6 : i32
      %add3A_106 = arith.addi %mul3A_104, %add3A_105 : i32
      %dma_start3A_107 = arith.constant 0 : i32
      %dma_start3A_108 = tpu.memref_slice %arg7[%add3A_106, %dma_start3A_107] : memref<392x128xf32, #tpu.memory_space<vmem>> -> memref<1x128xf32, #tpu.memory_space<vmem>>
      %dma_start3A_109 = tpu.memref_squeeze %dma_start3A_108 : memref<1x128xf32, #tpu.memory_space<vmem>> -> memref<128xf32, #tpu.memory_space<vmem>>
      %dma_start3A_110 = arith.constant 0 : i32
      %dma_start3A_111 = tpu.memref_slice %arg6[%add3A_106, %dma_start3A_110] : memref<392x128xi32, #tpu.memory_space<vmem>> -> memref<1x128xi32, #tpu.memory_space<vmem>>
      %dma_start3A_112 = tpu.memref_squeeze %dma_start3A_111 : memref<1x128xi32, #tpu.memory_space<vmem>> -> memref<128xi32, #tpu.memory_space<vmem>>
      %dma_start3A_113 = arith.constant 0 : i32
      %dma_start3A_114 = tpu.memref_slice %arg8[%dma_start3A_113] : memref<100000xf32, #tpu.memory_space<vmem_shared>> -> memref<100000xf32, #tpu.memory_space<vmem_shared>>
      tpu.enqueue_indirect_dma source(%dma_start3A_109 : memref<128xf32, #tpu.memory_space<vmem>>) target(%dma_start3A_114 : memref<100000xf32, #tpu.memory_space<vmem_shared>>) offsets(%dma_start3A_112 : memref<128xi32, #tpu.memory_space<vmem>>) semaphore(%arg10 : memref<!tpu.dma_semaphore, #tpu.memory_space<semaphore_mem>>) {add = true}
      %mul3A_115 = arith.constant 14 : i32
      %mul3A_116 = arith.muli %scan3A_30, %mul3A_115 : i32
      %add3A_117 = arith.constant 7 : i32
      %add3A_118 = arith.addi %mul3A_116, %add3A_117 : i32
      %dma_start3A_119 = arith.constant 0 : i32
      %dma_start3A_120 = tpu.memref_slice %arg7[%add3A_118, %dma_start3A_119] : memref<392x128xf32, #tpu.memory_space<vmem>> -> memref<1x128xf32, #tpu.memory_space<vmem>>
      %dma_start3A_121 = tpu.memref_squeeze %dma_start3A_120 : memref<1x128xf32, #tpu.memory_space<vmem>> -> memref<128xf32, #tpu.memory_space<vmem>>
      %dma_start3A_122 = arith.constant 0 : i32
      %dma_start3A_123 = tpu.memref_slice %arg6[%add3A_118, %dma_start3A_122] : memref<392x128xi32, #tpu.memory_space<vmem>> -> memref<1x128xi32, #tpu.memory_space<vmem>>
      %dma_start3A_124 = tpu.memref_squeeze %dma_start3A_123 : memref<1x128xi32, #tpu.memory_space<vmem>> -> memref<128xi32, #tpu.memory_space<vmem>>
      %dma_start3A_125 = arith.constant 0 : i32
      %dma_start3A_126 = tpu.memref_slice %arg8[%dma_start3A_125] : memref<100000xf32, #tpu.memory_space<vmem_shared>> -> memref<100000xf32, #tpu.memory_space<vmem_shared>>
      tpu.enqueue_indirect_dma source(%dma_start3A_121 : memref<128xf32, #tpu.memory_space<vmem>>) target(%dma_start3A_126 : memref<100000xf32, #tpu.memory_space<vmem_shared>>) offsets(%dma_start3A_124 : memref<128xi32, #tpu.memory_space<vmem>>) semaphore(%arg10 : memref<!tpu.dma_semaphore, #tpu.memory_space<semaphore_mem>>) {add = true}
      %mul3A_127 = arith.constant 14 : i32
      %mul3A_128 = arith.muli %scan3A_30, %mul3A_127 : i32
      %add3A_129 = arith.constant 8 : i32
      %add3A_130 = arith.addi %mul3A_128, %add3A_129 : i32
      %dma_start3A_131 = arith.constant 0 : i32
      %dma_start3A_132 = tpu.memref_slice %arg7[%add3A_130, %dma_start3A_131] : memref<392x128xf32, #tpu.memory_space<vmem>> -> memref<1x128xf32, #tpu.memory_space<vmem>>
      %dma_start3A_133 = tpu.memref_squeeze %dma_start3A_132 : memref<1x128xf32, #tpu.memory_space<vmem>> -> memref<128xf32, #tpu.memory_space<vmem>>
      %dma_start3A_134 = arith.constant 0 : i32
      %dma_start3A_135 = tpu.memref_slice %arg6[%add3A_130, %dma_start3A_134] : memref<392x128xi32, #tpu.memory_space<vmem>> -> memref<1x128xi32, #tpu.memory_space<vmem>>
      %dma_start3A_136 = tpu.memref_squeeze %dma_start3A_135 : memref<1x128xi32, #tpu.memory_space<vmem>> -> memref<128xi32, #tpu.memory_space<vmem>>
      %dma_start3A_137 = arith.constant 0 : i32
      %dma_start3A_138 = tpu.memref_slice %arg8[%dma_start3A_137] : memref<100000xf32, #tpu.memory_space<vmem_shared>> -> memref<100000xf32, #tpu.memory_space<vmem_shared>>
      tpu.enqueue_indirect_dma source(%dma_start3A_133 : memref<128xf32, #tpu.memory_space<vmem>>) target(%dma_start3A_138 : memref<100000xf32, #tpu.memory_space<vmem_shared>>) offsets(%dma_start3A_136 : memref<128xi32, #tpu.memory_space<vmem>>) semaphore(%arg10 : memref<!tpu.dma_semaphore, #tpu.memory_space<semaphore_mem>>) {add = true}
      %mul3A_139 = arith.constant 14 : i32
      %mul3A_140 = arith.muli %scan3A_30, %mul3A_139 : i32
      %add3A_141 = arith.constant 9 : i32
      %add3A_142 = arith.addi %mul3A_140, %add3A_141 : i32
      %dma_start3A_143 = arith.constant 0 : i32
      %dma_start3A_144 = tpu.memref_slice %arg7[%add3A_142, %dma_start3A_143] : memref<392x128xf32, #tpu.memory_space<vmem>> -> memref<1x128xf32, #tpu.memory_space<vmem>>
      %dma_start3A_145 = tpu.memref_squeeze %dma_start3A_144 : memref<1x128xf32, #tpu.memory_space<vmem>> -> memref<128xf32, #tpu.memory_space<vmem>>
      %dma_start3A_146 = arith.constant 0 : i32
      %dma_start3A_147 = tpu.memref_slice %arg6[%add3A_142, %dma_start3A_146] : memref<392x128xi32, #tpu.memory_space<vmem>> -> memref<1x128xi32, #tpu.memory_space<vmem>>
      %dma_start3A_148 = tpu.memref_squeeze %dma_start3A_147 : memref<1x128xi32, #tpu.memory_space<vmem>> -> memref<128xi32, #tpu.memory_space<vmem>>
      %dma_start3A_149 = arith.constant 0 : i32
      %dma_start3A_150 = tpu.memref_slice %arg8[%dma_start3A_149] : memref<100000xf32, #tpu.memory_space<vmem_shared>> -> memref<100000xf32, #tpu.memory_space<vmem_shared>>
      tpu.enqueue_indirect_dma source(%dma_start3A_145 : memref<128xf32, #tpu.memory_space<vmem>>) target(%dma_start3A_150 : memref<100000xf32, #tpu.memory_space<vmem_shared>>) offsets(%dma_start3A_148 : memref<128xi32, #tpu.memory_space<vmem>>) semaphore(%arg10 : memref<!tpu.dma_semaphore, #tpu.memory_space<semaphore_mem>>) {add = true}
      %mul3A_151 = arith.constant 14 : i32
      %mul3A_152 = arith.muli %scan3A_30, %mul3A_151 : i32
      %add3A_153 = arith.constant 10 : i32
      %add3A_154 = arith.addi %mul3A_152, %add3A_153 : i32
      %dma_start3A_155 = arith.constant 0 : i32
      %dma_start3A_156 = tpu.memref_slice %arg7[%add3A_154, %dma_start3A_155] : memref<392x128xf32, #tpu.memory_space<vmem>> -> memref<1x128xf32, #tpu.memory_space<vmem>>
      %dma_start3A_157 = tpu.memref_squeeze %dma_start3A_156 : memref<1x128xf32, #tpu.memory_space<vmem>> -> memref<128xf32, #tpu.memory_space<vmem>>
      %dma_start3A_158 = arith.constant 0 : i32
      %dma_start3A_159 = tpu.memref_slice %arg6[%add3A_154, %dma_start3A_158] : memref<392x128xi32, #tpu.memory_space<vmem>> -> memref<1x128xi32, #tpu.memory_space<vmem>>
      %dma_start3A_160 = tpu.memref_squeeze %dma_start3A_159 : memref<1x128xi32, #tpu.memory_space<vmem>> -> memref<128xi32, #tpu.memory_space<vmem>>
      %dma_start3A_161 = arith.constant 0 : i32
      %dma_start3A_162 = tpu.memref_slice %arg8[%dma_start3A_161] : memref<100000xf32, #tpu.memory_space<vmem_shared>> -> memref<100000xf32, #tpu.memory_space<vmem_shared>>
      tpu.enqueue_indirect_dma source(%dma_start3A_157 : memref<128xf32, #tpu.memory_space<vmem>>) target(%dma_start3A_162 : memref<100000xf32, #tpu.memory_space<vmem_shared>>) offsets(%dma_start3A_160 : memref<128xi32, #tpu.memory_space<vmem>>) semaphore(%arg10 : memref<!tpu.dma_semaphore, #tpu.memory_space<semaphore_mem>>) {add = true}
      %mul3A_163 = arith.constant 14 : i32
      %mul3A_164 = arith.muli %scan3A_30, %mul3A_163 : i32
      %add3A_165 = arith.constant 11 : i32
      %add3A_166 = arith.addi %mul3A_164, %add3A_165 : i32
      %dma_start3A_167 = arith.constant 0 : i32
      %dma_start3A_168 = tpu.memref_slice %arg7[%add3A_166, %dma_start3A_167] : memref<392x128xf32, #tpu.memory_space<vmem>> -> memref<1x128xf32, #tpu.memory_space<vmem>>
      %dma_start3A_169 = tpu.memref_squeeze %dma_start3A_168 : memref<1x128xf32, #tpu.memory_space<vmem>> -> memref<128xf32, #tpu.memory_space<vmem>>
      %dma_start3A_170 = arith.constant 0 : i32
      %dma_start3A_171 = tpu.memref_slice %arg6[%add3A_166, %dma_start3A_170] : memref<392x128xi32, #tpu.memory_space<vmem>> -> memref<1x128xi32, #tpu.memory_space<vmem>>
      %dma_start3A_172 = tpu.memref_squeeze %dma_start3A_171 : memref<1x128xi32, #tpu.memory_space<vmem>> -> memref<128xi32, #tpu.memory_space<vmem>>
      %dma_start3A_173 = arith.constant 0 : i32
      %dma_start3A_174 = tpu.memref_slice %arg8[%dma_start3A_173] : memref<100000xf32, #tpu.memory_space<vmem_shared>> -> memref<100000xf32, #tpu.memory_space<vmem_shared>>
      tpu.enqueue_indirect_dma source(%dma_start3A_169 : memref<128xf32, #tpu.memory_space<vmem>>) target(%dma_start3A_174 : memref<100000xf32, #tpu.memory_space<vmem_shared>>) offsets(%dma_start3A_172 : memref<128xi32, #tpu.memory_space<vmem>>) semaphore(%arg10 : memref<!tpu.dma_semaphore, #tpu.memory_space<semaphore_mem>>) {add = true}
      %mul3A_175 = arith.constant 14 : i32
      %mul3A_176 = arith.muli %scan3A_30, %mul3A_175 : i32
      %add3A_177 = arith.constant 12 : i32
      %add3A_178 = arith.addi %mul3A_176, %add3A_177 : i32
      %dma_start3A_179 = arith.constant 0 : i32
      %dma_start3A_180 = tpu.memref_slice %arg7[%add3A_178, %dma_start3A_179] : memref<392x128xf32, #tpu.memory_space<vmem>> -> memref<1x128xf32, #tpu.memory_space<vmem>>
      %dma_start3A_181 = tpu.memref_squeeze %dma_start3A_180 : memref<1x128xf32, #tpu.memory_space<vmem>> -> memref<128xf32, #tpu.memory_space<vmem>>
      %dma_start3A_182 = arith.constant 0 : i32
      %dma_start3A_183 = tpu.memref_slice %arg6[%add3A_178, %dma_start3A_182] : memref<392x128xi32, #tpu.memory_space<vmem>> -> memref<1x128xi32, #tpu.memory_space<vmem>>
      %dma_start3A_184 = tpu.memref_squeeze %dma_start3A_183 : memref<1x128xi32, #tpu.memory_space<vmem>> -> memref<128xi32, #tpu.memory_space<vmem>>
      %dma_start3A_185 = arith.constant 0 : i32
      %dma_start3A_186 = tpu.memref_slice %arg8[%dma_start3A_185] : memref<100000xf32, #tpu.memory_space<vmem_shared>> -> memref<100000xf32, #tpu.memory_space<vmem_shared>>
      tpu.enqueue_indirect_dma source(%dma_start3A_181 : memref<128xf32, #tpu.memory_space<vmem>>) target(%dma_start3A_186 : memref<100000xf32, #tpu.memory_space<vmem_shared>>) offsets(%dma_start3A_184 : memref<128xi32, #tpu.memory_space<vmem>>) semaphore(%arg10 : memref<!tpu.dma_semaphore, #tpu.memory_space<semaphore_mem>>) {add = true}
      %mul3A_187 = arith.constant 14 : i32
      %mul3A_188 = arith.muli %scan3A_30, %mul3A_187 : i32
      %add3A_189 = arith.constant 13 : i32
      %add3A_190 = arith.addi %mul3A_188, %add3A_189 : i32
      %dma_start3A_191 = arith.constant 0 : i32
      %dma_start3A_192 = tpu.memref_slice %arg7[%add3A_190, %dma_start3A_191] : memref<392x128xf32, #tpu.memory_space<vmem>> -> memref<1x128xf32, #tpu.memory_space<vmem>>
      %dma_start3A_193 = tpu.memref_squeeze %dma_start3A_192 : memref<1x128xf32, #tpu.memory_space<vmem>> -> memref<128xf32, #tpu.memory_space<vmem>>
      %dma_start3A_194 = arith.constant 0 : i32
      %dma_start3A_195 = tpu.memref_slice %arg6[%add3A_190, %dma_start3A_194] : memref<392x128xi32, #tpu.memory_space<vmem>> -> memref<1x128xi32, #tpu.memory_space<vmem>>
      %dma_start3A_196 = tpu.memref_squeeze %dma_start3A_195 : memref<1x128xi32, #tpu.memory_space<vmem>> -> memref<128xi32, #tpu.memory_space<vmem>>
      %dma_start3A_197 = arith.constant 0 : i32
      %dma_start3A_198 = tpu.memref_slice %arg8[%dma_start3A_197] : memref<100000xf32, #tpu.memory_space<vmem_shared>> -> memref<100000xf32, #tpu.memory_space<vmem_shared>>
      tpu.enqueue_indirect_dma source(%dma_start3A_193 : memref<128xf32, #tpu.memory_space<vmem>>) target(%dma_start3A_198 : memref<100000xf32, #tpu.memory_space<vmem_shared>>) offsets(%dma_start3A_196 : memref<128xi32, #tpu.memory_space<vmem>>) semaphore(%arg10 : memref<!tpu.dma_semaphore, #tpu.memory_space<semaphore_mem>>) {add = true}
      %dma_wait3A_199 = arith.constant 0 : i32
      %dma_wait3A_200 = tpu.memref_slice %arg7[%add3A_34, %dma_wait3A_199] : memref<392x128xf32, #tpu.memory_space<vmem>> -> memref<1x128xf32, #tpu.memory_space<vmem>>
      %dma_wait3A_201 = tpu.memref_squeeze %dma_wait3A_200 : memref<1x128xf32, #tpu.memory_space<vmem>> -> memref<128xf32, #tpu.memory_space<vmem>>
      %dma_wait3A_202 = arith.constant 0 : i32
      %dma_wait3A_203 = tpu.memref_slice %arg6[%add3A_34, %dma_wait3A_202] : memref<392x128xi32, #tpu.memory_space<vmem>> -> memref<1x128xi32, #tpu.memory_space<vmem>>
      %dma_wait3A_204 = tpu.memref_squeeze %dma_wait3A_203 : memref<1x128xi32, #tpu.memory_space<vmem>> -> memref<128xi32, #tpu.memory_space<vmem>>
      %dma_wait3A_205 = arith.constant 0 : i32
      %dma_wait3A_206 = tpu.memref_slice %arg8[%dma_wait3A_205] : memref<100000xf32, #tpu.memory_space<vmem_shared>> -> memref<100000xf32, #tpu.memory_space<vmem_shared>>
      tpu.wait_indirect_dma semaphore(%arg10 : memref<!tpu.dma_semaphore, #tpu.memory_space<semaphore_mem>>) src(%dma_wait3A_201 : memref<128xf32, #tpu.memory_space<vmem>>) dst(%dma_wait3A_206 : memref<100000xf32, #tpu.memory_space<vmem_shared>>)
      %dma_wait3A_207 = arith.constant 0 : i32
      %dma_wait3A_208 = tpu.memref_slice %arg7[%add3A_46, %dma_wait3A_207] : memref<392x128xf32, #tpu.memory_space<vmem>> -> memref<1x128xf32, #tpu.memory_space<vmem>>
      %dma_wait3A_209 = tpu.memref_squeeze %dma_wait3A_208 : memref<1x128xf32, #tpu.memory_space<vmem>> -> memref<128xf32, #tpu.memory_space<vmem>>
      %dma_wait3A_210 = arith.constant 0 : i32
      %dma_wait3A_211 = tpu.memref_slice %arg6[%add3A_46, %dma_wait3A_210] : memref<392x128xi32, #tpu.memory_space<vmem>> -> memref<1x128xi32, #tpu.memory_space<vmem>>
      %dma_wait3A_212 = tpu.memref_squeeze %dma_wait3A_211 : memref<1x128xi32, #tpu.memory_space<vmem>> -> memref<128xi32, #tpu.memory_space<vmem>>
      %dma_wait3A_213 = arith.constant 0 : i32
      %dma_wait3A_214 = tpu.memref_slice %arg8[%dma_wait3A_213] : memref<100000xf32, #tpu.memory_space<vmem_shared>> -> memref<100000xf32, #tpu.memory_space<vmem_shared>>
      tpu.wait_indirect_dma semaphore(%arg10 : memref<!tpu.dma_semaphore, #tpu.memory_space<semaphore_mem>>) src(%dma_wait3A_209 : memref<128xf32, #tpu.memory_space<vmem>>) dst(%dma_wait3A_214 : memref<100000xf32, #tpu.memory_space<vmem_shared>>)
      %dma_wait3A_215 = arith.constant 0 : i32
      %dma_wait3A_216 = tpu.memref_slice %arg7[%add3A_58, %dma_wait3A_215] : memref<392x128xf32, #tpu.memory_space<vmem>> -> memref<1x128xf32, #tpu.memory_space<vmem>>
      %dma_wait3A_217 = tpu.memref_squeeze %dma_wait3A_216 : memref<1x128xf32, #tpu.memory_space<vmem>> -> memref<128xf32, #tpu.memory_space<vmem>>
      %dma_wait3A_218 = arith.constant 0 : i32
      %dma_wait3A_219 = tpu.memref_slice %arg6[%add3A_58, %dma_wait3A_218] : memref<392x128xi32, #tpu.memory_space<vmem>> -> memref<1x128xi32, #tpu.memory_space<vmem>>
      %dma_wait3A_220 = tpu.memref_squeeze %dma_wait3A_219 : memref<1x128xi32, #tpu.memory_space<vmem>> -> memref<128xi32, #tpu.memory_space<vmem>>
      %dma_wait3A_221 = arith.constant 0 : i32
      %dma_wait3A_222 = tpu.memref_slice %arg8[%dma_wait3A_221] : memref<100000xf32, #tpu.memory_space<vmem_shared>> -> memref<100000xf32, #tpu.memory_space<vmem_shared>>
      tpu.wait_indirect_dma semaphore(%arg10 : memref<!tpu.dma_semaphore, #tpu.memory_space<semaphore_mem>>) src(%dma_wait3A_217 : memref<128xf32, #tpu.memory_space<vmem>>) dst(%dma_wait3A_222 : memref<100000xf32, #tpu.memory_space<vmem_shared>>)
      %dma_wait3A_223 = arith.constant 0 : i32
      %dma_wait3A_224 = tpu.memref_slice %arg7[%add3A_70, %dma_wait3A_223] : memref<392x128xf32, #tpu.memory_space<vmem>> -> memref<1x128xf32, #tpu.memory_space<vmem>>
      %dma_wait3A_225 = tpu.memref_squeeze %dma_wait3A_224 : memref<1x128xf32, #tpu.memory_space<vmem>> -> memref<128xf32, #tpu.memory_space<vmem>>
      %dma_wait3A_226 = arith.constant 0 : i32
      %dma_wait3A_227 = tpu.memref_slice %arg6[%add3A_70, %dma_wait3A_226] : memref<392x128xi32, #tpu.memory_space<vmem>> -> memref<1x128xi32, #tpu.memory_space<vmem>>
      %dma_wait3A_228 = tpu.memref_squeeze %dma_wait3A_227 : memref<1x128xi32, #tpu.memory_space<vmem>> -> memref<128xi32, #tpu.memory_space<vmem>>
      %dma_wait3A_229 = arith.constant 0 : i32
      %dma_wait3A_230 = tpu.memref_slice %arg8[%dma_wait3A_229] : memref<100000xf32, #tpu.memory_space<vmem_shared>> -> memref<100000xf32, #tpu.memory_space<vmem_shared>>
      tpu.wait_indirect_dma semaphore(%arg10 : memref<!tpu.dma_semaphore, #tpu.memory_space<semaphore_mem>>) src(%dma_wait3A_225 : memref<128xf32, #tpu.memory_space<vmem>>) dst(%dma_wait3A_230 : memref<100000xf32, #tpu.memory_space<vmem_shared>>)
      %dma_wait3A_231 = arith.constant 0 : i32
      %dma_wait3A_232 = tpu.memref_slice %arg7[%add3A_82, %dma_wait3A_231] : memref<392x128xf32, #tpu.memory_space<vmem>> -> memref<1x128xf32, #tpu.memory_space<vmem>>
      %dma_wait3A_233 = tpu.memref_squeeze %dma_wait3A_232 : memref<1x128xf32, #tpu.memory_space<vmem>> -> memref<128xf32, #tpu.memory_space<vmem>>
      %dma_wait3A_234 = arith.constant 0 : i32
      %dma_wait3A_235 = tpu.memref_slice %arg6[%add3A_82, %dma_wait3A_234] : memref<392x128xi32, #tpu.memory_space<vmem>> -> memref<1x128xi32, #tpu.memory_space<vmem>>
      %dma_wait3A_236 = tpu.memref_squeeze %dma_wait3A_235 : memref<1x128xi32, #tpu.memory_space<vmem>> -> memref<128xi32, #tpu.memory_space<vmem>>
      %dma_wait3A_237 = arith.constant 0 : i32
      %dma_wait3A_238 = tpu.memref_slice %arg8[%dma_wait3A_237] : memref<100000xf32, #tpu.memory_space<vmem_shared>> -> memref<100000xf32, #tpu.memory_space<vmem_shared>>
      tpu.wait_indirect_dma semaphore(%arg10 : memref<!tpu.dma_semaphore, #tpu.memory_space<semaphore_mem>>) src(%dma_wait3A_233 : memref<128xf32, #tpu.memory_space<vmem>>) dst(%dma_wait3A_238 : memref<100000xf32, #tpu.memory_space<vmem_shared>>)
      %dma_wait3A_239 = arith.constant 0 : i32
      %dma_wait3A_240 = tpu.memref_slice %arg7[%add3A_94, %dma_wait3A_239] : memref<392x128xf32, #tpu.memory_space<vmem>> -> memref<1x128xf32, #tpu.memory_space<vmem>>
      %dma_wait3A_241 = tpu.memref_squeeze %dma_wait3A_240 : memref<1x128xf32, #tpu.memory_space<vmem>> -> memref<128xf32, #tpu.memory_space<vmem>>
      %dma_wait3A_242 = arith.constant 0 : i32
      %dma_wait3A_243 = tpu.memref_slice %arg6[%add3A_94, %dma_wait3A_242] : memref<392x128xi32, #tpu.memory_space<vmem>> -> memref<1x128xi32, #tpu.memory_space<vmem>>
      %dma_wait3A_244 = tpu.memref_squeeze %dma_wait3A_243 : memref<1x128xi32, #tpu.memory_space<vmem>> -> memref<128xi32, #tpu.memory_space<vmem>>
      %dma_wait3A_245 = arith.constant 0 : i32
      %dma_wait3A_246 = tpu.memref_slice %arg8[%dma_wait3A_245] : memref<100000xf32, #tpu.memory_space<vmem_shared>> -> memref<100000xf32, #tpu.memory_space<vmem_shared>>
      tpu.wait_indirect_dma semaphore(%arg10 : memref<!tpu.dma_semaphore, #tpu.memory_space<semaphore_mem>>) src(%dma_wait3A_241 : memref<128xf32, #tpu.memory_space<vmem>>) dst(%dma_wait3A_246 : memref<100000xf32, #tpu.memory_space<vmem_shared>>)
      %dma_wait3A_247 = arith.constant 0 : i32
      %dma_wait3A_248 = tpu.memref_slice %arg7[%add3A_106, %dma_wait3A_247] : memref<392x128xf32, #tpu.memory_space<vmem>> -> memref<1x128xf32, #tpu.memory_space<vmem>>
      %dma_wait3A_249 = tpu.memref_squeeze %dma_wait3A_248 : memref<1x128xf32, #tpu.memory_space<vmem>> -> memref<128xf32, #tpu.memory_space<vmem>>
      %dma_wait3A_250 = arith.constant 0 : i32
      %dma_wait3A_251 = tpu.memref_slice %arg6[%add3A_106, %dma_wait3A_250] : memref<392x128xi32, #tpu.memory_space<vmem>> -> memref<1x128xi32, #tpu.memory_space<vmem>>
      %dma_wait3A_252 = tpu.memref_squeeze %dma_wait3A_251 : memref<1x128xi32, #tpu.memory_space<vmem>> -> memref<128xi32, #tpu.memory_space<vmem>>
      %dma_wait3A_253 = arith.constant 0 : i32
      %dma_wait3A_254 = tpu.memref_slice %arg8[%dma_wait3A_253] : memref<100000xf32, #tpu.memory_space<vmem_shared>> -> memref<100000xf32, #tpu.memory_space<vmem_shared>>
      tpu.wait_indirect_dma semaphore(%arg10 : memref<!tpu.dma_semaphore, #tpu.memory_space<semaphore_mem>>) src(%dma_wait3A_249 : memref<128xf32, #tpu.memory_space<vmem>>) dst(%dma_wait3A_254 : memref<100000xf32, #tpu.memory_space<vmem_shared>>)
      %dma_wait3A_255 = arith.constant 0 : i32
      %dma_wait3A_256 = tpu.memref_slice %arg7[%add3A_118, %dma_wait3A_255] : memref<392x128xf32, #tpu.memory_space<vmem>> -> memref<1x128xf32, #tpu.memory_space<vmem>>
      %dma_wait3A_257 = tpu.memref_squeeze %dma_wait3A_256 : memref<1x128xf32, #tpu.memory_space<vmem>> -> memref<128xf32, #tpu.memory_space<vmem>>
      %dma_wait3A_258 = arith.constant 0 : i32
      %dma_wait3A_259 = tpu.memref_slice %arg6[%add3A_118, %dma_wait3A_258] : memref<392x128xi32, #tpu.memory_space<vmem>> -> memref<1x128xi32, #tpu.memory_space<vmem>>
      %dma_wait3A_260 = tpu.memref_squeeze %dma_wait3A_259 : memref<1x128xi32, #tpu.memory_space<vmem>> -> memref<128xi32, #tpu.memory_space<vmem>>
      %dma_wait3A_261 = arith.constant 0 : i32
      %dma_wait3A_262 = tpu.memref_slice %arg8[%dma_wait3A_261] : memref<100000xf32, #tpu.memory_space<vmem_shared>> -> memref<100000xf32, #tpu.memory_space<vmem_shared>>
      tpu.wait_indirect_dma semaphore(%arg10 : memref<!tpu.dma_semaphore, #tpu.memory_space<semaphore_mem>>) src(%dma_wait3A_257 : memref<128xf32, #tpu.memory_space<vmem>>) dst(%dma_wait3A_262 : memref<100000xf32, #tpu.memory_space<vmem_shared>>)
      %dma_wait3A_263 = arith.constant 0 : i32
      %dma_wait3A_264 = tpu.memref_slice %arg7[%add3A_130, %dma_wait3A_263] : memref<392x128xf32, #tpu.memory_space<vmem>> -> memref<1x128xf32, #tpu.memory_space<vmem>>
      %dma_wait3A_265 = tpu.memref_squeeze %dma_wait3A_264 : memref<1x128xf32, #tpu.memory_space<vmem>> -> memref<128xf32, #tpu.memory_space<vmem>>
      %dma_wait3A_266 = arith.constant 0 : i32
      %dma_wait3A_267 = tpu.memref_slice %arg6[%add3A_130, %dma_wait3A_266] : memref<392x128xi32, #tpu.memory_space<vmem>> -> memref<1x128xi32, #tpu.memory_space<vmem>>
      %dma_wait3A_268 = tpu.memref_squeeze %dma_wait3A_267 : memref<1x128xi32, #tpu.memory_space<vmem>> -> memref<128xi32, #tpu.memory_space<vmem>>
      %dma_wait3A_269 = arith.constant 0 : i32
      %dma_wait3A_270 = tpu.memref_slice %arg8[%dma_wait3A_269] : memref<100000xf32, #tpu.memory_space<vmem_shared>> -> memref<100000xf32, #tpu.memory_space<vmem_shared>>
      tpu.wait_indirect_dma semaphore(%arg10 : memref<!tpu.dma_semaphore, #tpu.memory_space<semaphore_mem>>) src(%dma_wait3A_265 : memref<128xf32, #tpu.memory_space<vmem>>) dst(%dma_wait3A_270 : memref<100000xf32, #tpu.memory_space<vmem_shared>>)
      %dma_wait3A_271 = arith.constant 0 : i32
      %dma_wait3A_272 = tpu.memref_slice %arg7[%add3A_142, %dma_wait3A_271] : memref<392x128xf32, #tpu.memory_space<vmem>> -> memref<1x128xf32, #tpu.memory_space<vmem>>
      %dma_wait3A_273 = tpu.memref_squeeze %dma_wait3A_272 : memref<1x128xf32, #tpu.memory_space<vmem>> -> memref<128xf32, #tpu.memory_space<vmem>>
      %dma_wait3A_274 = arith.constant 0 : i32
      %dma_wait3A_275 = tpu.memref_slice %arg6[%add3A_142, %dma_wait3A_274] : memref<392x128xi32, #tpu.memory_space<vmem>> -> memref<1x128xi32, #tpu.memory_space<vmem>>
      %dma_wait3A_276 = tpu.memref_squeeze %dma_wait3A_275 : memref<1x128xi32, #tpu.memory_space<vmem>> -> memref<128xi32, #tpu.memory_space<vmem>>
      %dma_wait3A_277 = arith.constant 0 : i32
      %dma_wait3A_278 = tpu.memref_slice %arg8[%dma_wait3A_277] : memref<100000xf32, #tpu.memory_space<vmem_shared>> -> memref<100000xf32, #tpu.memory_space<vmem_shared>>
      tpu.wait_indirect_dma semaphore(%arg10 : memref<!tpu.dma_semaphore, #tpu.memory_space<semaphore_mem>>) src(%dma_wait3A_273 : memref<128xf32, #tpu.memory_space<vmem>>) dst(%dma_wait3A_278 : memref<100000xf32, #tpu.memory_space<vmem_shared>>)
      %dma_wait3A_279 = arith.constant 0 : i32
      %dma_wait3A_280 = tpu.memref_slice %arg7[%add3A_154, %dma_wait3A_279] : memref<392x128xf32, #tpu.memory_space<vmem>> -> memref<1x128xf32, #tpu.memory_space<vmem>>
      %dma_wait3A_281 = tpu.memref_squeeze %dma_wait3A_280 : memref<1x128xf32, #tpu.memory_space<vmem>> -> memref<128xf32, #tpu.memory_space<vmem>>
      %dma_wait3A_282 = arith.constant 0 : i32
      %dma_wait3A_283 = tpu.memref_slice %arg6[%add3A_154, %dma_wait3A_282] : memref<392x128xi32, #tpu.memory_space<vmem>> -> memref<1x128xi32, #tpu.memory_space<vmem>>
      %dma_wait3A_284 = tpu.memref_squeeze %dma_wait3A_283 : memref<1x128xi32, #tpu.memory_space<vmem>> -> memref<128xi32, #tpu.memory_space<vmem>>
      %dma_wait3A_285 = arith.constant 0 : i32
      %dma_wait3A_286 = tpu.memref_slice %arg8[%dma_wait3A_285] : memref<100000xf32, #tpu.memory_space<vmem_shared>> -> memref<100000xf32, #tpu.memory_space<vmem_shared>>
      tpu.wait_indirect_dma semaphore(%arg10 : memref<!tpu.dma_semaphore, #tpu.memory_space<semaphore_mem>>) src(%dma_wait3A_281 : memref<128xf32, #tpu.memory_space<vmem>>) dst(%dma_wait3A_286 : memref<100000xf32, #tpu.memory_space<vmem_shared>>)
      %dma_wait3A_287 = arith.constant 0 : i32
      %dma_wait3A_288 = tpu.memref_slice %arg7[%add3A_166, %dma_wait3A_287] : memref<392x128xf32, #tpu.memory_space<vmem>> -> memref<1x128xf32, #tpu.memory_space<vmem>>
      %dma_wait3A_289 = tpu.memref_squeeze %dma_wait3A_288 : memref<1x128xf32, #tpu.memory_space<vmem>> -> memref<128xf32, #tpu.memory_space<vmem>>
      %dma_wait3A_290 = arith.constant 0 : i32
      %dma_wait3A_291 = tpu.memref_slice %arg6[%add3A_166, %dma_wait3A_290] : memref<392x128xi32, #tpu.memory_space<vmem>> -> memref<1x128xi32, #tpu.memory_space<vmem>>
      %dma_wait3A_292 = tpu.memref_squeeze %dma_wait3A_291 : memref<1x128xi32, #tpu.memory_space<vmem>> -> memref<128xi32, #tpu.memory_space<vmem>>
      %dma_wait3A_293 = arith.constant 0 : i32
      %dma_wait3A_294 = tpu.memref_slice %arg8[%dma_wait3A_293] : memref<100000xf32, #tpu.memory_space<vmem_shared>> -> memref<100000xf32, #tpu.memory_space<vmem_shared>>
      tpu.wait_indirect_dma semaphore(%arg10 : memref<!tpu.dma_semaphore, #tpu.memory_space<semaphore_mem>>) src(%dma_wait3A_289 : memref<128xf32, #tpu.memory_space<vmem>>) dst(%dma_wait3A_294 : memref<100000xf32, #tpu.memory_space<vmem_shared>>)
      %dma_wait3A_295 = arith.constant 0 : i32
      %dma_wait3A_296 = tpu.memref_slice %arg7[%add3A_178, %dma_wait3A_295] : memref<392x128xf32, #tpu.memory_space<vmem>> -> memref<1x128xf32, #tpu.memory_space<vmem>>
      %dma_wait3A_297 = tpu.memref_squeeze %dma_wait3A_296 : memref<1x128xf32, #tpu.memory_space<vmem>> -> memref<128xf32, #tpu.memory_space<vmem>>
      %dma_wait3A_298 = arith.constant 0 : i32
      %dma_wait3A_299 = tpu.memref_slice %arg6[%add3A_178, %dma_wait3A_298] : memref<392x128xi32, #tpu.memory_space<vmem>> -> memref<1x128xi32, #tpu.memory_space<vmem>>
      %dma_wait3A_300 = tpu.memref_squeeze %dma_wait3A_299 : memref<1x128xi32, #tpu.memory_space<vmem>> -> memref<128xi32, #tpu.memory_space<vmem>>
      %dma_wait3A_301 = arith.constant 0 : i32
      %dma_wait3A_302 = tpu.memref_slice %arg8[%dma_wait3A_301] : memref<100000xf32, #tpu.memory_space<vmem_shared>> -> memref<100000xf32, #tpu.memory_space<vmem_shared>>
      tpu.wait_indirect_dma semaphore(%arg10 : memref<!tpu.dma_semaphore, #tpu.memory_space<semaphore_mem>>) src(%dma_wait3A_297 : memref<128xf32, #tpu.memory_space<vmem>>) dst(%dma_wait3A_302 : memref<100000xf32, #tpu.memory_space<vmem_shared>>)
      %dma_wait3A_303 = arith.constant 0 : i32
      %dma_wait3A_304 = tpu.memref_slice %arg7[%add3A_190, %dma_wait3A_303] : memref<392x128xf32, #tpu.memory_space<vmem>> -> memref<1x128xf32, #tpu.memory_space<vmem>>
      %dma_wait3A_305 = tpu.memref_squeeze %dma_wait3A_304 : memref<1x128xf32, #tpu.memory_space<vmem>> -> memref<128xf32, #tpu.memory_space<vmem>>
      %dma_wait3A_306 = arith.constant 0 : i32
      %dma_wait3A_307 = tpu.memref_slice %arg6[%add3A_190, %dma_wait3A_306] : memref<392x128xi32, #tpu.memory_space<vmem>> -> memref<1x128xi32, #tpu.memory_space<vmem>>
      %dma_wait3A_308 = tpu.memref_squeeze %dma_wait3A_307 : memref<1x128xi32, #tpu.memory_space<vmem>> -> memref<128xi32, #tpu.memory_space<vmem>>
      %dma_wait3A_309 = arith.constant 0 : i32
      %dma_wait3A_310 = tpu.memref_slice %arg8[%dma_wait3A_309] : memref<100000xf32, #tpu.memory_space<vmem_shared>> -> memref<100000xf32, #tpu.memory_space<vmem_shared>>
      tpu.wait_indirect_dma semaphore(%arg10 : memref<!tpu.dma_semaphore, #tpu.memory_space<semaphore_mem>>) src(%dma_wait3A_305 : memref<128xf32, #tpu.memory_space<vmem>>) dst(%dma_wait3A_310 : memref<100000xf32, #tpu.memory_space<vmem_shared>>)
    }
    %scan3A_23 = arith.constant 28 : i32
    %barrier3A_24 = arith.constant 0 : index
    tpu.barrier barrier_id(%barrier3A_24)
    %eq3A_25 = arith.constant 0 : i32
    %eq3A_26 = arith.cmpi eq, %arg1, %eq3A_25 : i32
    %convert_element_type3A_27 = arith.extui %eq3A_26 : i1 to i32
    %cond3A_28 = arith.constant 0 : i32
    %cond3A_29 = arith.cmpi ne, %convert_element_type3A_27, %cond3A_28 : i32
    scf.if %cond3A_29 {
      "tpu.region"() ({
        %run_scoped3A = tpu.sem_alloc : memref<!tpu.dma_semaphore, #tpu.memory_space<semaphore_mem>>
        %dma_start3A_30 = arith.constant 0 : i32
        %dma_start3A_31 = tpu.memref_slice %arg5[%arg0, %dma_start3A_30] : memref<2x100000xf32, #tpu.memory_space<hbm>> -> memref<1x100000xf32, #tpu.memory_space<hbm>>
        %dma_start3A_32 = tpu.memref_squeeze %dma_start3A_31 : memref<1x100000xf32, #tpu.memory_space<hbm>> -> memref<100000xf32, #tpu.memory_space<hbm>>
        tpu.enqueue_dma source(%arg8 : memref<100000xf32, #tpu.memory_space<vmem_shared>>) target(%dma_start3A_32 : memref<100000xf32, #tpu.memory_space<hbm>>) target_semaphore(%run_scoped3A : memref<!tpu.dma_semaphore, #tpu.memory_space<semaphore_mem>>)
        %dma_wait3A_33 = arith.constant 0 : i32
        %dma_wait3A_34 = tpu.memref_slice %arg5[%arg0, %dma_wait3A_33] : memref<2x100000xf32, #tpu.memory_space<hbm>> -> memref<1x100000xf32, #tpu.memory_space<hbm>>
        %dma_wait3A_35 = tpu.memref_squeeze %dma_wait3A_34 : memref<1x100000xf32, #tpu.memory_space<hbm>> -> memref<100000xf32, #tpu.memory_space<hbm>>
        tpu.wait_dma2 semaphore(%run_scoped3A : memref<!tpu.dma_semaphore, #tpu.memory_space<semaphore_mem>>) src(%arg8 : memref<100000xf32, #tpu.memory_space<vmem_shared>>) dst(%dma_wait3A_35 : memref<100000xf32, #tpu.memory_space<hbm>>)
        tpu.yield
      }) : () -> ()
    } else {
    }
    return
  }
}

module attributes {stable_mosaic.version = 14 : i64} {
  func.func @_embed_body(%arg0: i32, %arg1: memref<5x10xf32, #tpu.memory_space<smem>>, %arg2: memref<1250x128xf32, #tpu.memory_space<vmem>>, %arg3: memref<1250x128xf32, #tpu.memory_space<vmem>>, %arg4: memref<1250x128xf32, #tpu.memory_space<vmem>>) attributes {dimension_semantics = [#tpu.dimension_semantics<arbitrary>], iteration_bounds = array<i64: 10>, scalar_prefetch = 0 : i64, scratch_operands = 0 : i64, tpu.core_type = #tpu.core_type<tc>, window_params = [{transform_indices = @transform_0, window_bounds = array<i64: 5, 10>}, {transform_indices = @transform_1, window_bounds = array<i64: 1250, 128>}, {transform_indices = @transform_2, window_bounds = array<i64: 1250, 128>}, {transform_indices = @transform_3, window_bounds = array<i64: 1250, 128>}]} {
    %get3A = arith.constant 0 : index
    %get3A_0 = arith.constant 0 : index
    %get3A_1 = vector.load %arg2[%get3A, %get3A_0] : memref<1250x128xf32, #tpu.memory_space<vmem>>, vector<1250x128xf32>
    %get3A_2 = arith.constant 0 : index
    %get3A_3 = arith.constant 0 : index
    %get3A_4 = vector.load %arg3[%get3A_2, %get3A_3] : memref<1250x128xf32, #tpu.memory_space<vmem>>, vector<1250x128xf32>
    %broadcast_in_dim3A = arith.constant 0.000000e+00 : f32
    %broadcast_in_dim3A_5 = vector.broadcast %broadcast_in_dim3A : f32 to vector<1250x128xf32>
    %get3A_6 = arith.constant 0 : index
    %get3A_7 = arith.constant 0 : index
    %get3A_8 = memref.load %arg1[%get3A_6, %get3A_7] : memref<5x10xf32, #tpu.memory_space<smem>>
    %get3A_9 = arith.constant 1 : index
    %get3A_10 = arith.constant 0 : index
    %get3A_11 = memref.load %arg1[%get3A_9, %get3A_10] : memref<5x10xf32, #tpu.memory_space<smem>>
    %mul3A = vector.broadcast %get3A_8 : f32 to vector<1250x128xf32>
    %mul3A_12 = arith.mulf %get3A_1, %mul3A : vector<1250x128xf32>
    %get3A_13 = arith.constant 2 : index
    %get3A_14 = arith.constant 0 : index
    %get3A_15 = memref.load %arg1[%get3A_13, %get3A_14] : memref<5x10xf32, #tpu.memory_space<smem>>
    %add3A = vector.broadcast %get3A_15 : f32 to vector<1250x128xf32>
    %add3A_16 = arith.addf %mul3A_12, %add3A : vector<1250x128xf32>
    %mul3A_17 = arith.constant 0.318309873 : f32
    %mul3A_18 = vector.broadcast %mul3A_17 : f32 to vector<1250x128xf32>
    %mul3A_19 = arith.mulf %add3A_16, %mul3A_18 : vector<1250x128xf32>
    %round3A = math.roundeven %mul3A_19 : vector<1250x128xf32>
    %mul3A_20 = arith.constant 3.14159274 : f32
    %mul3A_21 = vector.broadcast %mul3A_20 : f32 to vector<1250x128xf32>
    %mul3A_22 = arith.mulf %round3A, %mul3A_21 : vector<1250x128xf32>
    %sub3A = arith.subf %add3A_16, %mul3A_22 : vector<1250x128xf32>
    %convert_element_type3A = arith.fptosi %round3A : vector<1250x128xf32> to vector<1250x128xi32>
    %and3A = arith.constant 1 : i32
    %and3A_23 = vector.broadcast %and3A : i32 to vector<1250x128xi32>
    %and3A_24 = arith.andi %convert_element_type3A, %and3A_23 : vector<1250x128xi32>
    %shift_left3A = arith.constant 31 : i32
    %shift_left3A_25 = vector.broadcast %shift_left3A : i32 to vector<1250x128xi32>
    %shift_left3A_26 = arith.shli %and3A_24, %shift_left3A_25 : vector<1250x128xi32>
    %mul3A_27 = arith.mulf %sub3A, %sub3A : vector<1250x128xf32>
    %mul3A_28 = arith.constant 2.75255616E-6 : f32
    %mul3A_29 = vector.broadcast %mul3A_28 : f32 to vector<1250x128xf32>
    %mul3A_30 = arith.mulf %mul3A_29, %mul3A_27 : vector<1250x128xf32>
    %add3A_31 = arith.constant -1.98408743E-4 : f32
    %add3A_32 = vector.broadcast %add3A_31 : f32 to vector<1250x128xf32>
    %add3A_33 = arith.addf %mul3A_30, %add3A_32 : vector<1250x128xf32>
    %mul3A_34 = arith.mulf %add3A_33, %mul3A_27 : vector<1250x128xf32>
    %add3A_35 = arith.constant 0.00833332911 : f32
    %add3A_36 = vector.broadcast %add3A_35 : f32 to vector<1250x128xf32>
    %add3A_37 = arith.addf %mul3A_34, %add3A_36 : vector<1250x128xf32>
    %mul3A_38 = arith.mulf %add3A_37, %mul3A_27 : vector<1250x128xf32>
    %add3A_39 = arith.constant -0.166666672 : f32
    %add3A_40 = vector.broadcast %add3A_39 : f32 to vector<1250x128xf32>
    %add3A_41 = arith.addf %mul3A_38, %add3A_40 : vector<1250x128xf32>
    %mul3A_42 = arith.mulf %mul3A_27, %add3A_41 : vector<1250x128xf32>
    %mul3A_43 = arith.mulf %sub3A, %mul3A_42 : vector<1250x128xf32>
    %add3A_44 = arith.addf %sub3A, %mul3A_43 : vector<1250x128xf32>
    %bitcast_convert_type3A = tpu.bitcast %add3A_44 : vector<1250x128xf32> -> vector<1250x128xi32>
    %xor3A = arith.xori %bitcast_convert_type3A, %shift_left3A_26 : vector<1250x128xi32>
    %bitcast_convert_type3A_45 = tpu.bitcast %xor3A : vector<1250x128xi32> -> vector<1250x128xf32>
    %mul3A_46 = vector.broadcast %get3A_11 : f32 to vector<1250x128xf32>
    %mul3A_47 = arith.mulf %mul3A_46, %bitcast_convert_type3A_45 : vector<1250x128xf32>
    %add3A_48 = arith.addf %broadcast_in_dim3A_5, %mul3A_47 : vector<1250x128xf32>
    %get3A_49 = arith.constant 3 : index
    %get3A_50 = arith.constant 0 : index
    %get3A_51 = memref.load %arg1[%get3A_49, %get3A_50] : memref<5x10xf32, #tpu.memory_space<smem>>
    %mul3A_52 = vector.broadcast %get3A_8 : f32 to vector<1250x128xf32>
    %mul3A_53 = arith.mulf %get3A_4, %mul3A_52 : vector<1250x128xf32>
    %get3A_54 = arith.constant 4 : index
    %get3A_55 = arith.constant 0 : index
    %get3A_56 = memref.load %arg1[%get3A_54, %get3A_55] : memref<5x10xf32, #tpu.memory_space<smem>>
    %add3A_57 = vector.broadcast %get3A_56 : f32 to vector<1250x128xf32>
    %add3A_58 = arith.addf %mul3A_53, %add3A_57 : vector<1250x128xf32>
    %mul3A_59 = arith.constant 0.318309873 : f32
    %mul3A_60 = vector.broadcast %mul3A_59 : f32 to vector<1250x128xf32>
    %mul3A_61 = arith.mulf %add3A_58, %mul3A_60 : vector<1250x128xf32>
    %round3A_62 = math.roundeven %mul3A_61 : vector<1250x128xf32>
    %mul3A_63 = arith.constant 3.14159274 : f32
    %mul3A_64 = vector.broadcast %mul3A_63 : f32 to vector<1250x128xf32>
    %mul3A_65 = arith.mulf %round3A_62, %mul3A_64 : vector<1250x128xf32>
    %sub3A_66 = arith.subf %add3A_58, %mul3A_65 : vector<1250x128xf32>
    %convert_element_type3A_67 = arith.fptosi %round3A_62 : vector<1250x128xf32> to vector<1250x128xi32>
    %and3A_68 = arith.constant 1 : i32
    %and3A_69 = vector.broadcast %and3A_68 : i32 to vector<1250x128xi32>
    %and3A_70 = arith.andi %convert_element_type3A_67, %and3A_69 : vector<1250x128xi32>
    %shift_left3A_71 = arith.constant 31 : i32
    %shift_left3A_72 = vector.broadcast %shift_left3A_71 : i32 to vector<1250x128xi32>
    %shift_left3A_73 = arith.shli %and3A_70, %shift_left3A_72 : vector<1250x128xi32>
    %mul3A_74 = arith.mulf %sub3A_66, %sub3A_66 : vector<1250x128xf32>
    %mul3A_75 = arith.constant 2.75255616E-6 : f32
    %mul3A_76 = vector.broadcast %mul3A_75 : f32 to vector<1250x128xf32>
    %mul3A_77 = arith.mulf %mul3A_76, %mul3A_74 : vector<1250x128xf32>
    %add3A_78 = arith.constant -1.98408743E-4 : f32
    %add3A_79 = vector.broadcast %add3A_78 : f32 to vector<1250x128xf32>
    %add3A_80 = arith.addf %mul3A_77, %add3A_79 : vector<1250x128xf32>
    %mul3A_81 = arith.mulf %add3A_80, %mul3A_74 : vector<1250x128xf32>
    %add3A_82 = arith.constant 0.00833332911 : f32
    %add3A_83 = vector.broadcast %add3A_82 : f32 to vector<1250x128xf32>
    %add3A_84 = arith.addf %mul3A_81, %add3A_83 : vector<1250x128xf32>
    %mul3A_85 = arith.mulf %add3A_84, %mul3A_74 : vector<1250x128xf32>
    %add3A_86 = arith.constant -0.166666672 : f32
    %add3A_87 = vector.broadcast %add3A_86 : f32 to vector<1250x128xf32>
    %add3A_88 = arith.addf %mul3A_85, %add3A_87 : vector<1250x128xf32>
    %mul3A_89 = arith.mulf %mul3A_74, %add3A_88 : vector<1250x128xf32>
    %mul3A_90 = arith.mulf %sub3A_66, %mul3A_89 : vector<1250x128xf32>
    %add3A_91 = arith.addf %sub3A_66, %mul3A_90 : vector<1250x128xf32>
    %bitcast_convert_type3A_92 = tpu.bitcast %add3A_91 : vector<1250x128xf32> -> vector<1250x128xi32>
    %xor3A_93 = arith.xori %bitcast_convert_type3A_92, %shift_left3A_73 : vector<1250x128xi32>
    %bitcast_convert_type3A_94 = tpu.bitcast %xor3A_93 : vector<1250x128xi32> -> vector<1250x128xf32>
    %mul3A_95 = vector.broadcast %get3A_51 : f32 to vector<1250x128xf32>
    %mul3A_96 = arith.mulf %mul3A_95, %bitcast_convert_type3A_94 : vector<1250x128xf32>
    %add3A_97 = arith.addf %add3A_48, %mul3A_96 : vector<1250x128xf32>
    %get3A_98 = arith.constant 0 : index
    %get3A_99 = arith.constant 1 : index
    %get3A_100 = memref.load %arg1[%get3A_98, %get3A_99] : memref<5x10xf32, #tpu.memory_space<smem>>
    %get3A_101 = arith.constant 1 : index
    %get3A_102 = arith.constant 1 : index
    %get3A_103 = memref.load %arg1[%get3A_101, %get3A_102] : memref<5x10xf32, #tpu.memory_space<smem>>
    %mul3A_104 = vector.broadcast %get3A_100 : f32 to vector<1250x128xf32>
    %mul3A_105 = arith.mulf %get3A_1, %mul3A_104 : vector<1250x128xf32>
    %get3A_106 = arith.constant 2 : index
    %get3A_107 = arith.constant 1 : index
    %get3A_108 = memref.load %arg1[%get3A_106, %get3A_107] : memref<5x10xf32, #tpu.memory_space<smem>>
    %add3A_109 = vector.broadcast %get3A_108 : f32 to vector<1250x128xf32>
    %add3A_110 = arith.addf %mul3A_105, %add3A_109 : vector<1250x128xf32>
    %mul3A_111 = arith.constant 0.318309873 : f32
    %mul3A_112 = vector.broadcast %mul3A_111 : f32 to vector<1250x128xf32>
    %mul3A_113 = arith.mulf %add3A_110, %mul3A_112 : vector<1250x128xf32>
    %round3A_114 = math.roundeven %mul3A_113 : vector<1250x128xf32>
    %mul3A_115 = arith.constant 3.14159274 : f32
    %mul3A_116 = vector.broadcast %mul3A_115 : f32 to vector<1250x128xf32>
    %mul3A_117 = arith.mulf %round3A_114, %mul3A_116 : vector<1250x128xf32>
    %sub3A_118 = arith.subf %add3A_110, %mul3A_117 : vector<1250x128xf32>
    %convert_element_type3A_119 = arith.fptosi %round3A_114 : vector<1250x128xf32> to vector<1250x128xi32>
    %and3A_120 = arith.constant 1 : i32
    %and3A_121 = vector.broadcast %and3A_120 : i32 to vector<1250x128xi32>
    %and3A_122 = arith.andi %convert_element_type3A_119, %and3A_121 : vector<1250x128xi32>
    %shift_left3A_123 = arith.constant 31 : i32
    %shift_left3A_124 = vector.broadcast %shift_left3A_123 : i32 to vector<1250x128xi32>
    %shift_left3A_125 = arith.shli %and3A_122, %shift_left3A_124 : vector<1250x128xi32>
    %mul3A_126 = arith.mulf %sub3A_118, %sub3A_118 : vector<1250x128xf32>
    %mul3A_127 = arith.constant 2.75255616E-6 : f32
    %mul3A_128 = vector.broadcast %mul3A_127 : f32 to vector<1250x128xf32>
    %mul3A_129 = arith.mulf %mul3A_128, %mul3A_126 : vector<1250x128xf32>
    %add3A_130 = arith.constant -1.98408743E-4 : f32
    %add3A_131 = vector.broadcast %add3A_130 : f32 to vector<1250x128xf32>
    %add3A_132 = arith.addf %mul3A_129, %add3A_131 : vector<1250x128xf32>
    %mul3A_133 = arith.mulf %add3A_132, %mul3A_126 : vector<1250x128xf32>
    %add3A_134 = arith.constant 0.00833332911 : f32
    %add3A_135 = vector.broadcast %add3A_134 : f32 to vector<1250x128xf32>
    %add3A_136 = arith.addf %mul3A_133, %add3A_135 : vector<1250x128xf32>
    %mul3A_137 = arith.mulf %add3A_136, %mul3A_126 : vector<1250x128xf32>
    %add3A_138 = arith.constant -0.166666672 : f32
    %add3A_139 = vector.broadcast %add3A_138 : f32 to vector<1250x128xf32>
    %add3A_140 = arith.addf %mul3A_137, %add3A_139 : vector<1250x128xf32>
    %mul3A_141 = arith.mulf %mul3A_126, %add3A_140 : vector<1250x128xf32>
    %mul3A_142 = arith.mulf %sub3A_118, %mul3A_141 : vector<1250x128xf32>
    %add3A_143 = arith.addf %sub3A_118, %mul3A_142 : vector<1250x128xf32>
    %bitcast_convert_type3A_144 = tpu.bitcast %add3A_143 : vector<1250x128xf32> -> vector<1250x128xi32>
    %xor3A_145 = arith.xori %bitcast_convert_type3A_144, %shift_left3A_125 : vector<1250x128xi32>
    %bitcast_convert_type3A_146 = tpu.bitcast %xor3A_145 : vector<1250x128xi32> -> vector<1250x128xf32>
    %mul3A_147 = vector.broadcast %get3A_103 : f32 to vector<1250x128xf32>
    %mul3A_148 = arith.mulf %mul3A_147, %bitcast_convert_type3A_146 : vector<1250x128xf32>
    %add3A_149 = arith.addf %add3A_97, %mul3A_148 : vector<1250x128xf32>
    %get3A_150 = arith.constant 3 : index
    %get3A_151 = arith.constant 1 : index
    %get3A_152 = memref.load %arg1[%get3A_150, %get3A_151] : memref<5x10xf32, #tpu.memory_space<smem>>
    %mul3A_153 = vector.broadcast %get3A_100 : f32 to vector<1250x128xf32>
    %mul3A_154 = arith.mulf %get3A_4, %mul3A_153 : vector<1250x128xf32>
    %get3A_155 = arith.constant 4 : index
    %get3A_156 = arith.constant 1 : index
    %get3A_157 = memref.load %arg1[%get3A_155, %get3A_156] : memref<5x10xf32, #tpu.memory_space<smem>>
    %add3A_158 = vector.broadcast %get3A_157 : f32 to vector<1250x128xf32>
    %add3A_159 = arith.addf %mul3A_154, %add3A_158 : vector<1250x128xf32>
    %mul3A_160 = arith.constant 0.318309873 : f32
    %mul3A_161 = vector.broadcast %mul3A_160 : f32 to vector<1250x128xf32>
    %mul3A_162 = arith.mulf %add3A_159, %mul3A_161 : vector<1250x128xf32>
    %round3A_163 = math.roundeven %mul3A_162 : vector<1250x128xf32>
    %mul3A_164 = arith.constant 3.14159274 : f32
    %mul3A_165 = vector.broadcast %mul3A_164 : f32 to vector<1250x128xf32>
    %mul3A_166 = arith.mulf %round3A_163, %mul3A_165 : vector<1250x128xf32>
    %sub3A_167 = arith.subf %add3A_159, %mul3A_166 : vector<1250x128xf32>
    %convert_element_type3A_168 = arith.fptosi %round3A_163 : vector<1250x128xf32> to vector<1250x128xi32>
    %and3A_169 = arith.constant 1 : i32
    %and3A_170 = vector.broadcast %and3A_169 : i32 to vector<1250x128xi32>
    %and3A_171 = arith.andi %convert_element_type3A_168, %and3A_170 : vector<1250x128xi32>
    %shift_left3A_172 = arith.constant 31 : i32
    %shift_left3A_173 = vector.broadcast %shift_left3A_172 : i32 to vector<1250x128xi32>
    %shift_left3A_174 = arith.shli %and3A_171, %shift_left3A_173 : vector<1250x128xi32>
    %mul3A_175 = arith.mulf %sub3A_167, %sub3A_167 : vector<1250x128xf32>
    %mul3A_176 = arith.constant 2.75255616E-6 : f32
    %mul3A_177 = vector.broadcast %mul3A_176 : f32 to vector<1250x128xf32>
    %mul3A_178 = arith.mulf %mul3A_177, %mul3A_175 : vector<1250x128xf32>
    %add3A_179 = arith.constant -1.98408743E-4 : f32
    %add3A_180 = vector.broadcast %add3A_179 : f32 to vector<1250x128xf32>
    %add3A_181 = arith.addf %mul3A_178, %add3A_180 : vector<1250x128xf32>
    %mul3A_182 = arith.mulf %add3A_181, %mul3A_175 : vector<1250x128xf32>
    %add3A_183 = arith.constant 0.00833332911 : f32
    %add3A_184 = vector.broadcast %add3A_183 : f32 to vector<1250x128xf32>
    %add3A_185 = arith.addf %mul3A_182, %add3A_184 : vector<1250x128xf32>
    %mul3A_186 = arith.mulf %add3A_185, %mul3A_175 : vector<1250x128xf32>
    %add3A_187 = arith.constant -0.166666672 : f32
    %add3A_188 = vector.broadcast %add3A_187 : f32 to vector<1250x128xf32>
    %add3A_189 = arith.addf %mul3A_186, %add3A_188 : vector<1250x128xf32>
    %mul3A_190 = arith.mulf %mul3A_175, %add3A_189 : vector<1250x128xf32>
    %mul3A_191 = arith.mulf %sub3A_167, %mul3A_190 : vector<1250x128xf32>
    %add3A_192 = arith.addf %sub3A_167, %mul3A_191 : vector<1250x128xf32>
    %bitcast_convert_type3A_193 = tpu.bitcast %add3A_192 : vector<1250x128xf32> -> vector<1250x128xi32>
    %xor3A_194 = arith.xori %bitcast_convert_type3A_193, %shift_left3A_174 : vector<1250x128xi32>
    %bitcast_convert_type3A_195 = tpu.bitcast %xor3A_194 : vector<1250x128xi32> -> vector<1250x128xf32>
    %mul3A_196 = vector.broadcast %get3A_152 : f32 to vector<1250x128xf32>
    %mul3A_197 = arith.mulf %mul3A_196, %bitcast_convert_type3A_195 : vector<1250x128xf32>
    %add3A_198 = arith.addf %add3A_149, %mul3A_197 : vector<1250x128xf32>
    %get3A_199 = arith.constant 0 : index
    %get3A_200 = arith.constant 2 : index
    %get3A_201 = memref.load %arg1[%get3A_199, %get3A_200] : memref<5x10xf32, #tpu.memory_space<smem>>
    %get3A_202 = arith.constant 1 : index
    %get3A_203 = arith.constant 2 : index
    %get3A_204 = memref.load %arg1[%get3A_202, %get3A_203] : memref<5x10xf32, #tpu.memory_space<smem>>
    %mul3A_205 = vector.broadcast %get3A_201 : f32 to vector<1250x128xf32>
    %mul3A_206 = arith.mulf %get3A_1, %mul3A_205 : vector<1250x128xf32>
    %get3A_207 = arith.constant 2 : index
    %get3A_208 = arith.constant 2 : index
    %get3A_209 = memref.load %arg1[%get3A_207, %get3A_208] : memref<5x10xf32, #tpu.memory_space<smem>>
    %add3A_210 = vector.broadcast %get3A_209 : f32 to vector<1250x128xf32>
    %add3A_211 = arith.addf %mul3A_206, %add3A_210 : vector<1250x128xf32>
    %mul3A_212 = arith.constant 0.318309873 : f32
    %mul3A_213 = vector.broadcast %mul3A_212 : f32 to vector<1250x128xf32>
    %mul3A_214 = arith.mulf %add3A_211, %mul3A_213 : vector<1250x128xf32>
    %round3A_215 = math.roundeven %mul3A_214 : vector<1250x128xf32>
    %mul3A_216 = arith.constant 3.14159274 : f32
    %mul3A_217 = vector.broadcast %mul3A_216 : f32 to vector<1250x128xf32>
    %mul3A_218 = arith.mulf %round3A_215, %mul3A_217 : vector<1250x128xf32>
    %sub3A_219 = arith.subf %add3A_211, %mul3A_218 : vector<1250x128xf32>
    %convert_element_type3A_220 = arith.fptosi %round3A_215 : vector<1250x128xf32> to vector<1250x128xi32>
    %and3A_221 = arith.constant 1 : i32
    %and3A_222 = vector.broadcast %and3A_221 : i32 to vector<1250x128xi32>
    %and3A_223 = arith.andi %convert_element_type3A_220, %and3A_222 : vector<1250x128xi32>
    %shift_left3A_224 = arith.constant 31 : i32
    %shift_left3A_225 = vector.broadcast %shift_left3A_224 : i32 to vector<1250x128xi32>
    %shift_left3A_226 = arith.shli %and3A_223, %shift_left3A_225 : vector<1250x128xi32>
    %mul3A_227 = arith.mulf %sub3A_219, %sub3A_219 : vector<1250x128xf32>
    %mul3A_228 = arith.constant 2.75255616E-6 : f32
    %mul3A_229 = vector.broadcast %mul3A_228 : f32 to vector<1250x128xf32>
    %mul3A_230 = arith.mulf %mul3A_229, %mul3A_227 : vector<1250x128xf32>
    %add3A_231 = arith.constant -1.98408743E-4 : f32
    %add3A_232 = vector.broadcast %add3A_231 : f32 to vector<1250x128xf32>
    %add3A_233 = arith.addf %mul3A_230, %add3A_232 : vector<1250x128xf32>
    %mul3A_234 = arith.mulf %add3A_233, %mul3A_227 : vector<1250x128xf32>
    %add3A_235 = arith.constant 0.00833332911 : f32
    %add3A_236 = vector.broadcast %add3A_235 : f32 to vector<1250x128xf32>
    %add3A_237 = arith.addf %mul3A_234, %add3A_236 : vector<1250x128xf32>
    %mul3A_238 = arith.mulf %add3A_237, %mul3A_227 : vector<1250x128xf32>
    %add3A_239 = arith.constant -0.166666672 : f32
    %add3A_240 = vector.broadcast %add3A_239 : f32 to vector<1250x128xf32>
    %add3A_241 = arith.addf %mul3A_238, %add3A_240 : vector<1250x128xf32>
    %mul3A_242 = arith.mulf %mul3A_227, %add3A_241 : vector<1250x128xf32>
    %mul3A_243 = arith.mulf %sub3A_219, %mul3A_242 : vector<1250x128xf32>
    %add3A_244 = arith.addf %sub3A_219, %mul3A_243 : vector<1250x128xf32>
    %bitcast_convert_type3A_245 = tpu.bitcast %add3A_244 : vector<1250x128xf32> -> vector<1250x128xi32>
    %xor3A_246 = arith.xori %bitcast_convert_type3A_245, %shift_left3A_226 : vector<1250x128xi32>
    %bitcast_convert_type3A_247 = tpu.bitcast %xor3A_246 : vector<1250x128xi32> -> vector<1250x128xf32>
    %mul3A_248 = vector.broadcast %get3A_204 : f32 to vector<1250x128xf32>
    %mul3A_249 = arith.mulf %mul3A_248, %bitcast_convert_type3A_247 : vector<1250x128xf32>
    %add3A_250 = arith.addf %add3A_198, %mul3A_249 : vector<1250x128xf32>
    %get3A_251 = arith.constant 3 : index
    %get3A_252 = arith.constant 2 : index
    %get3A_253 = memref.load %arg1[%get3A_251, %get3A_252] : memref<5x10xf32, #tpu.memory_space<smem>>
    %mul3A_254 = vector.broadcast %get3A_201 : f32 to vector<1250x128xf32>
    %mul3A_255 = arith.mulf %get3A_4, %mul3A_254 : vector<1250x128xf32>
    %get3A_256 = arith.constant 4 : index
    %get3A_257 = arith.constant 2 : index
    %get3A_258 = memref.load %arg1[%get3A_256, %get3A_257] : memref<5x10xf32, #tpu.memory_space<smem>>
    %add3A_259 = vector.broadcast %get3A_258 : f32 to vector<1250x128xf32>
    %add3A_260 = arith.addf %mul3A_255, %add3A_259 : vector<1250x128xf32>
    %mul3A_261 = arith.constant 0.318309873 : f32
    %mul3A_262 = vector.broadcast %mul3A_261 : f32 to vector<1250x128xf32>
    %mul3A_263 = arith.mulf %add3A_260, %mul3A_262 : vector<1250x128xf32>
    %round3A_264 = math.roundeven %mul3A_263 : vector<1250x128xf32>
    %mul3A_265 = arith.constant 3.14159274 : f32
    %mul3A_266 = vector.broadcast %mul3A_265 : f32 to vector<1250x128xf32>
    %mul3A_267 = arith.mulf %round3A_264, %mul3A_266 : vector<1250x128xf32>
    %sub3A_268 = arith.subf %add3A_260, %mul3A_267 : vector<1250x128xf32>
    %convert_element_type3A_269 = arith.fptosi %round3A_264 : vector<1250x128xf32> to vector<1250x128xi32>
    %and3A_270 = arith.constant 1 : i32
    %and3A_271 = vector.broadcast %and3A_270 : i32 to vector<1250x128xi32>
    %and3A_272 = arith.andi %convert_element_type3A_269, %and3A_271 : vector<1250x128xi32>
    %shift_left3A_273 = arith.constant 31 : i32
    %shift_left3A_274 = vector.broadcast %shift_left3A_273 : i32 to vector<1250x128xi32>
    %shift_left3A_275 = arith.shli %and3A_272, %shift_left3A_274 : vector<1250x128xi32>
    %mul3A_276 = arith.mulf %sub3A_268, %sub3A_268 : vector<1250x128xf32>
    %mul3A_277 = arith.constant 2.75255616E-6 : f32
    %mul3A_278 = vector.broadcast %mul3A_277 : f32 to vector<1250x128xf32>
    %mul3A_279 = arith.mulf %mul3A_278, %mul3A_276 : vector<1250x128xf32>
    %add3A_280 = arith.constant -1.98408743E-4 : f32
    %add3A_281 = vector.broadcast %add3A_280 : f32 to vector<1250x128xf32>
    %add3A_282 = arith.addf %mul3A_279, %add3A_281 : vector<1250x128xf32>
    %mul3A_283 = arith.mulf %add3A_282, %mul3A_276 : vector<1250x128xf32>
    %add3A_284 = arith.constant 0.00833332911 : f32
    %add3A_285 = vector.broadcast %add3A_284 : f32 to vector<1250x128xf32>
    %add3A_286 = arith.addf %mul3A_283, %add3A_285 : vector<1250x128xf32>
    %mul3A_287 = arith.mulf %add3A_286, %mul3A_276 : vector<1250x128xf32>
    %add3A_288 = arith.constant -0.166666672 : f32
    %add3A_289 = vector.broadcast %add3A_288 : f32 to vector<1250x128xf32>
    %add3A_290 = arith.addf %mul3A_287, %add3A_289 : vector<1250x128xf32>
    %mul3A_291 = arith.mulf %mul3A_276, %add3A_290 : vector<1250x128xf32>
    %mul3A_292 = arith.mulf %sub3A_268, %mul3A_291 : vector<1250x128xf32>
    %add3A_293 = arith.addf %sub3A_268, %mul3A_292 : vector<1250x128xf32>
    %bitcast_convert_type3A_294 = tpu.bitcast %add3A_293 : vector<1250x128xf32> -> vector<1250x128xi32>
    %xor3A_295 = arith.xori %bitcast_convert_type3A_294, %shift_left3A_275 : vector<1250x128xi32>
    %bitcast_convert_type3A_296 = tpu.bitcast %xor3A_295 : vector<1250x128xi32> -> vector<1250x128xf32>
    %mul3A_297 = vector.broadcast %get3A_253 : f32 to vector<1250x128xf32>
    %mul3A_298 = arith.mulf %mul3A_297, %bitcast_convert_type3A_296 : vector<1250x128xf32>
    %add3A_299 = arith.addf %add3A_250, %mul3A_298 : vector<1250x128xf32>
    %get3A_300 = arith.constant 0 : index
    %get3A_301 = arith.constant 3 : index
    %get3A_302 = memref.load %arg1[%get3A_300, %get3A_301] : memref<5x10xf32, #tpu.memory_space<smem>>
    %get3A_303 = arith.constant 1 : index
    %get3A_304 = arith.constant 3 : index
    %get3A_305 = memref.load %arg1[%get3A_303, %get3A_304] : memref<5x10xf32, #tpu.memory_space<smem>>
    %mul3A_306 = vector.broadcast %get3A_302 : f32 to vector<1250x128xf32>
    %mul3A_307 = arith.mulf %get3A_1, %mul3A_306 : vector<1250x128xf32>
    %get3A_308 = arith.constant 2 : index
    %get3A_309 = arith.constant 3 : index
    %get3A_310 = memref.load %arg1[%get3A_308, %get3A_309] : memref<5x10xf32, #tpu.memory_space<smem>>
    %add3A_311 = vector.broadcast %get3A_310 : f32 to vector<1250x128xf32>
    %add3A_312 = arith.addf %mul3A_307, %add3A_311 : vector<1250x128xf32>
    %mul3A_313 = arith.constant 0.318309873 : f32
    %mul3A_314 = vector.broadcast %mul3A_313 : f32 to vector<1250x128xf32>
    %mul3A_315 = arith.mulf %add3A_312, %mul3A_314 : vector<1250x128xf32>
    %round3A_316 = math.roundeven %mul3A_315 : vector<1250x128xf32>
    %mul3A_317 = arith.constant 3.14159274 : f32
    %mul3A_318 = vector.broadcast %mul3A_317 : f32 to vector<1250x128xf32>
    %mul3A_319 = arith.mulf %round3A_316, %mul3A_318 : vector<1250x128xf32>
    %sub3A_320 = arith.subf %add3A_312, %mul3A_319 : vector<1250x128xf32>
    %convert_element_type3A_321 = arith.fptosi %round3A_316 : vector<1250x128xf32> to vector<1250x128xi32>
    %and3A_322 = arith.constant 1 : i32
    %and3A_323 = vector.broadcast %and3A_322 : i32 to vector<1250x128xi32>
    %and3A_324 = arith.andi %convert_element_type3A_321, %and3A_323 : vector<1250x128xi32>
    %shift_left3A_325 = arith.constant 31 : i32
    %shift_left3A_326 = vector.broadcast %shift_left3A_325 : i32 to vector<1250x128xi32>
    %shift_left3A_327 = arith.shli %and3A_324, %shift_left3A_326 : vector<1250x128xi32>
    %mul3A_328 = arith.mulf %sub3A_320, %sub3A_320 : vector<1250x128xf32>
    %mul3A_329 = arith.constant 2.75255616E-6 : f32
    %mul3A_330 = vector.broadcast %mul3A_329 : f32 to vector<1250x128xf32>
    %mul3A_331 = arith.mulf %mul3A_330, %mul3A_328 : vector<1250x128xf32>
    %add3A_332 = arith.constant -1.98408743E-4 : f32
    %add3A_333 = vector.broadcast %add3A_332 : f32 to vector<1250x128xf32>
    %add3A_334 = arith.addf %mul3A_331, %add3A_333 : vector<1250x128xf32>
    %mul3A_335 = arith.mulf %add3A_334, %mul3A_328 : vector<1250x128xf32>
    %add3A_336 = arith.constant 0.00833332911 : f32
    %add3A_337 = vector.broadcast %add3A_336 : f32 to vector<1250x128xf32>
    %add3A_338 = arith.addf %mul3A_335, %add3A_337 : vector<1250x128xf32>
    %mul3A_339 = arith.mulf %add3A_338, %mul3A_328 : vector<1250x128xf32>
    %add3A_340 = arith.constant -0.166666672 : f32
    %add3A_341 = vector.broadcast %add3A_340 : f32 to vector<1250x128xf32>
    %add3A_342 = arith.addf %mul3A_339, %add3A_341 : vector<1250x128xf32>
    %mul3A_343 = arith.mulf %mul3A_328, %add3A_342 : vector<1250x128xf32>
    %mul3A_344 = arith.mulf %sub3A_320, %mul3A_343 : vector<1250x128xf32>
    %add3A_345 = arith.addf %sub3A_320, %mul3A_344 : vector<1250x128xf32>
    %bitcast_convert_type3A_346 = tpu.bitcast %add3A_345 : vector<1250x128xf32> -> vector<1250x128xi32>
    %xor3A_347 = arith.xori %bitcast_convert_type3A_346, %shift_left3A_327 : vector<1250x128xi32>
    %bitcast_convert_type3A_348 = tpu.bitcast %xor3A_347 : vector<1250x128xi32> -> vector<1250x128xf32>
    %mul3A_349 = vector.broadcast %get3A_305 : f32 to vector<1250x128xf32>
    %mul3A_350 = arith.mulf %mul3A_349, %bitcast_convert_type3A_348 : vector<1250x128xf32>
    %add3A_351 = arith.addf %add3A_299, %mul3A_350 : vector<1250x128xf32>
    %get3A_352 = arith.constant 3 : index
    %get3A_353 = arith.constant 3 : index
    %get3A_354 = memref.load %arg1[%get3A_352, %get3A_353] : memref<5x10xf32, #tpu.memory_space<smem>>
    %mul3A_355 = vector.broadcast %get3A_302 : f32 to vector<1250x128xf32>
    %mul3A_356 = arith.mulf %get3A_4, %mul3A_355 : vector<1250x128xf32>
    %get3A_357 = arith.constant 4 : index
    %get3A_358 = arith.constant 3 : index
    %get3A_359 = memref.load %arg1[%get3A_357, %get3A_358] : memref<5x10xf32, #tpu.memory_space<smem>>
    %add3A_360 = vector.broadcast %get3A_359 : f32 to vector<1250x128xf32>
    %add3A_361 = arith.addf %mul3A_356, %add3A_360 : vector<1250x128xf32>
    %mul3A_362 = arith.constant 0.318309873 : f32
    %mul3A_363 = vector.broadcast %mul3A_362 : f32 to vector<1250x128xf32>
    %mul3A_364 = arith.mulf %add3A_361, %mul3A_363 : vector<1250x128xf32>
    %round3A_365 = math.roundeven %mul3A_364 : vector<1250x128xf32>
    %mul3A_366 = arith.constant 3.14159274 : f32
    %mul3A_367 = vector.broadcast %mul3A_366 : f32 to vector<1250x128xf32>
    %mul3A_368 = arith.mulf %round3A_365, %mul3A_367 : vector<1250x128xf32>
    %sub3A_369 = arith.subf %add3A_361, %mul3A_368 : vector<1250x128xf32>
    %convert_element_type3A_370 = arith.fptosi %round3A_365 : vector<1250x128xf32> to vector<1250x128xi32>
    %and3A_371 = arith.constant 1 : i32
    %and3A_372 = vector.broadcast %and3A_371 : i32 to vector<1250x128xi32>
    %and3A_373 = arith.andi %convert_element_type3A_370, %and3A_372 : vector<1250x128xi32>
    %shift_left3A_374 = arith.constant 31 : i32
    %shift_left3A_375 = vector.broadcast %shift_left3A_374 : i32 to vector<1250x128xi32>
    %shift_left3A_376 = arith.shli %and3A_373, %shift_left3A_375 : vector<1250x128xi32>
    %mul3A_377 = arith.mulf %sub3A_369, %sub3A_369 : vector<1250x128xf32>
    %mul3A_378 = arith.constant 2.75255616E-6 : f32
    %mul3A_379 = vector.broadcast %mul3A_378 : f32 to vector<1250x128xf32>
    %mul3A_380 = arith.mulf %mul3A_379, %mul3A_377 : vector<1250x128xf32>
    %add3A_381 = arith.constant -1.98408743E-4 : f32
    %add3A_382 = vector.broadcast %add3A_381 : f32 to vector<1250x128xf32>
    %add3A_383 = arith.addf %mul3A_380, %add3A_382 : vector<1250x128xf32>
    %mul3A_384 = arith.mulf %add3A_383, %mul3A_377 : vector<1250x128xf32>
    %add3A_385 = arith.constant 0.00833332911 : f32
    %add3A_386 = vector.broadcast %add3A_385 : f32 to vector<1250x128xf32>
    %add3A_387 = arith.addf %mul3A_384, %add3A_386 : vector<1250x128xf32>
    %mul3A_388 = arith.mulf %add3A_387, %mul3A_377 : vector<1250x128xf32>
    %add3A_389 = arith.constant -0.166666672 : f32
    %add3A_390 = vector.broadcast %add3A_389 : f32 to vector<1250x128xf32>
    %add3A_391 = arith.addf %mul3A_388, %add3A_390 : vector<1250x128xf32>
    %mul3A_392 = arith.mulf %mul3A_377, %add3A_391 : vector<1250x128xf32>
    %mul3A_393 = arith.mulf %sub3A_369, %mul3A_392 : vector<1250x128xf32>
    %add3A_394 = arith.addf %sub3A_369, %mul3A_393 : vector<1250x128xf32>
    %bitcast_convert_type3A_395 = tpu.bitcast %add3A_394 : vector<1250x128xf32> -> vector<1250x128xi32>
    %xor3A_396 = arith.xori %bitcast_convert_type3A_395, %shift_left3A_376 : vector<1250x128xi32>
    %bitcast_convert_type3A_397 = tpu.bitcast %xor3A_396 : vector<1250x128xi32> -> vector<1250x128xf32>
    %mul3A_398 = vector.broadcast %get3A_354 : f32 to vector<1250x128xf32>
    %mul3A_399 = arith.mulf %mul3A_398, %bitcast_convert_type3A_397 : vector<1250x128xf32>
    %add3A_400 = arith.addf %add3A_351, %mul3A_399 : vector<1250x128xf32>
    %get3A_401 = arith.constant 0 : index
    %get3A_402 = arith.constant 4 : index
    %get3A_403 = memref.load %arg1[%get3A_401, %get3A_402] : memref<5x10xf32, #tpu.memory_space<smem>>
    %get3A_404 = arith.constant 1 : index
    %get3A_405 = arith.constant 4 : index
    %get3A_406 = memref.load %arg1[%get3A_404, %get3A_405] : memref<5x10xf32, #tpu.memory_space<smem>>
    %mul3A_407 = vector.broadcast %get3A_403 : f32 to vector<1250x128xf32>
    %mul3A_408 = arith.mulf %get3A_1, %mul3A_407 : vector<1250x128xf32>
    %get3A_409 = arith.constant 2 : index
    %get3A_410 = arith.constant 4 : index
    %get3A_411 = memref.load %arg1[%get3A_409, %get3A_410] : memref<5x10xf32, #tpu.memory_space<smem>>
    %add3A_412 = vector.broadcast %get3A_411 : f32 to vector<1250x128xf32>
    %add3A_413 = arith.addf %mul3A_408, %add3A_412 : vector<1250x128xf32>
    %mul3A_414 = arith.constant 0.318309873 : f32
    %mul3A_415 = vector.broadcast %mul3A_414 : f32 to vector<1250x128xf32>
    %mul3A_416 = arith.mulf %add3A_413, %mul3A_415 : vector<1250x128xf32>
    %round3A_417 = math.roundeven %mul3A_416 : vector<1250x128xf32>
    %mul3A_418 = arith.constant 3.14159274 : f32
    %mul3A_419 = vector.broadcast %mul3A_418 : f32 to vector<1250x128xf32>
    %mul3A_420 = arith.mulf %round3A_417, %mul3A_419 : vector<1250x128xf32>
    %sub3A_421 = arith.subf %add3A_413, %mul3A_420 : vector<1250x128xf32>
    %convert_element_type3A_422 = arith.fptosi %round3A_417 : vector<1250x128xf32> to vector<1250x128xi32>
    %and3A_423 = arith.constant 1 : i32
    %and3A_424 = vector.broadcast %and3A_423 : i32 to vector<1250x128xi32>
    %and3A_425 = arith.andi %convert_element_type3A_422, %and3A_424 : vector<1250x128xi32>
    %shift_left3A_426 = arith.constant 31 : i32
    %shift_left3A_427 = vector.broadcast %shift_left3A_426 : i32 to vector<1250x128xi32>
    %shift_left3A_428 = arith.shli %and3A_425, %shift_left3A_427 : vector<1250x128xi32>
    %mul3A_429 = arith.mulf %sub3A_421, %sub3A_421 : vector<1250x128xf32>
    %mul3A_430 = arith.constant 2.75255616E-6 : f32
    %mul3A_431 = vector.broadcast %mul3A_430 : f32 to vector<1250x128xf32>
    %mul3A_432 = arith.mulf %mul3A_431, %mul3A_429 : vector<1250x128xf32>
    %add3A_433 = arith.constant -1.98408743E-4 : f32
    %add3A_434 = vector.broadcast %add3A_433 : f32 to vector<1250x128xf32>
    %add3A_435 = arith.addf %mul3A_432, %add3A_434 : vector<1250x128xf32>
    %mul3A_436 = arith.mulf %add3A_435, %mul3A_429 : vector<1250x128xf32>
    %add3A_437 = arith.constant 0.00833332911 : f32
    %add3A_438 = vector.broadcast %add3A_437 : f32 to vector<1250x128xf32>
    %add3A_439 = arith.addf %mul3A_436, %add3A_438 : vector<1250x128xf32>
    %mul3A_440 = arith.mulf %add3A_439, %mul3A_429 : vector<1250x128xf32>
    %add3A_441 = arith.constant -0.166666672 : f32
    %add3A_442 = vector.broadcast %add3A_441 : f32 to vector<1250x128xf32>
    %add3A_443 = arith.addf %mul3A_440, %add3A_442 : vector<1250x128xf32>
    %mul3A_444 = arith.mulf %mul3A_429, %add3A_443 : vector<1250x128xf32>
    %mul3A_445 = arith.mulf %sub3A_421, %mul3A_444 : vector<1250x128xf32>
    %add3A_446 = arith.addf %sub3A_421, %mul3A_445 : vector<1250x128xf32>
    %bitcast_convert_type3A_447 = tpu.bitcast %add3A_446 : vector<1250x128xf32> -> vector<1250x128xi32>
    %xor3A_448 = arith.xori %bitcast_convert_type3A_447, %shift_left3A_428 : vector<1250x128xi32>
    %bitcast_convert_type3A_449 = tpu.bitcast %xor3A_448 : vector<1250x128xi32> -> vector<1250x128xf32>
    %mul3A_450 = vector.broadcast %get3A_406 : f32 to vector<1250x128xf32>
    %mul3A_451 = arith.mulf %mul3A_450, %bitcast_convert_type3A_449 : vector<1250x128xf32>
    %add3A_452 = arith.addf %add3A_400, %mul3A_451 : vector<1250x128xf32>
    %get3A_453 = arith.constant 3 : index
    %get3A_454 = arith.constant 4 : index
    %get3A_455 = memref.load %arg1[%get3A_453, %get3A_454] : memref<5x10xf32, #tpu.memory_space<smem>>
    %mul3A_456 = vector.broadcast %get3A_403 : f32 to vector<1250x128xf32>
    %mul3A_457 = arith.mulf %get3A_4, %mul3A_456 : vector<1250x128xf32>
    %get3A_458 = arith.constant 4 : index
    %get3A_459 = arith.constant 4 : index
    %get3A_460 = memref.load %arg1[%get3A_458, %get3A_459] : memref<5x10xf32, #tpu.memory_space<smem>>
    %add3A_461 = vector.broadcast %get3A_460 : f32 to vector<1250x128xf32>
    %add3A_462 = arith.addf %mul3A_457, %add3A_461 : vector<1250x128xf32>
    %mul3A_463 = arith.constant 0.318309873 : f32
    %mul3A_464 = vector.broadcast %mul3A_463 : f32 to vector<1250x128xf32>
    %mul3A_465 = arith.mulf %add3A_462, %mul3A_464 : vector<1250x128xf32>
    %round3A_466 = math.roundeven %mul3A_465 : vector<1250x128xf32>
    %mul3A_467 = arith.constant 3.14159274 : f32
    %mul3A_468 = vector.broadcast %mul3A_467 : f32 to vector<1250x128xf32>
    %mul3A_469 = arith.mulf %round3A_466, %mul3A_468 : vector<1250x128xf32>
    %sub3A_470 = arith.subf %add3A_462, %mul3A_469 : vector<1250x128xf32>
    %convert_element_type3A_471 = arith.fptosi %round3A_466 : vector<1250x128xf32> to vector<1250x128xi32>
    %and3A_472 = arith.constant 1 : i32
    %and3A_473 = vector.broadcast %and3A_472 : i32 to vector<1250x128xi32>
    %and3A_474 = arith.andi %convert_element_type3A_471, %and3A_473 : vector<1250x128xi32>
    %shift_left3A_475 = arith.constant 31 : i32
    %shift_left3A_476 = vector.broadcast %shift_left3A_475 : i32 to vector<1250x128xi32>
    %shift_left3A_477 = arith.shli %and3A_474, %shift_left3A_476 : vector<1250x128xi32>
    %mul3A_478 = arith.mulf %sub3A_470, %sub3A_470 : vector<1250x128xf32>
    %mul3A_479 = arith.constant 2.75255616E-6 : f32
    %mul3A_480 = vector.broadcast %mul3A_479 : f32 to vector<1250x128xf32>
    %mul3A_481 = arith.mulf %mul3A_480, %mul3A_478 : vector<1250x128xf32>
    %add3A_482 = arith.constant -1.98408743E-4 : f32
    %add3A_483 = vector.broadcast %add3A_482 : f32 to vector<1250x128xf32>
    %add3A_484 = arith.addf %mul3A_481, %add3A_483 : vector<1250x128xf32>
    %mul3A_485 = arith.mulf %add3A_484, %mul3A_478 : vector<1250x128xf32>
    %add3A_486 = arith.constant 0.00833332911 : f32
    %add3A_487 = vector.broadcast %add3A_486 : f32 to vector<1250x128xf32>
    %add3A_488 = arith.addf %mul3A_485, %add3A_487 : vector<1250x128xf32>
    %mul3A_489 = arith.mulf %add3A_488, %mul3A_478 : vector<1250x128xf32>
    %add3A_490 = arith.constant -0.166666672 : f32
    %add3A_491 = vector.broadcast %add3A_490 : f32 to vector<1250x128xf32>
    %add3A_492 = arith.addf %mul3A_489, %add3A_491 : vector<1250x128xf32>
    %mul3A_493 = arith.mulf %mul3A_478, %add3A_492 : vector<1250x128xf32>
    %mul3A_494 = arith.mulf %sub3A_470, %mul3A_493 : vector<1250x128xf32>
    %add3A_495 = arith.addf %sub3A_470, %mul3A_494 : vector<1250x128xf32>
    %bitcast_convert_type3A_496 = tpu.bitcast %add3A_495 : vector<1250x128xf32> -> vector<1250x128xi32>
    %xor3A_497 = arith.xori %bitcast_convert_type3A_496, %shift_left3A_477 : vector<1250x128xi32>
    %bitcast_convert_type3A_498 = tpu.bitcast %xor3A_497 : vector<1250x128xi32> -> vector<1250x128xf32>
    %mul3A_499 = vector.broadcast %get3A_455 : f32 to vector<1250x128xf32>
    %mul3A_500 = arith.mulf %mul3A_499, %bitcast_convert_type3A_498 : vector<1250x128xf32>
    %add3A_501 = arith.addf %add3A_452, %mul3A_500 : vector<1250x128xf32>
    %get3A_502 = arith.constant 0 : index
    %get3A_503 = arith.constant 5 : index
    %get3A_504 = memref.load %arg1[%get3A_502, %get3A_503] : memref<5x10xf32, #tpu.memory_space<smem>>
    %get3A_505 = arith.constant 1 : index
    %get3A_506 = arith.constant 5 : index
    %get3A_507 = memref.load %arg1[%get3A_505, %get3A_506] : memref<5x10xf32, #tpu.memory_space<smem>>
    %mul3A_508 = vector.broadcast %get3A_504 : f32 to vector<1250x128xf32>
    %mul3A_509 = arith.mulf %get3A_1, %mul3A_508 : vector<1250x128xf32>
    %get3A_510 = arith.constant 2 : index
    %get3A_511 = arith.constant 5 : index
    %get3A_512 = memref.load %arg1[%get3A_510, %get3A_511] : memref<5x10xf32, #tpu.memory_space<smem>>
    %add3A_513 = vector.broadcast %get3A_512 : f32 to vector<1250x128xf32>
    %add3A_514 = arith.addf %mul3A_509, %add3A_513 : vector<1250x128xf32>
    %mul3A_515 = arith.constant 0.318309873 : f32
    %mul3A_516 = vector.broadcast %mul3A_515 : f32 to vector<1250x128xf32>
    %mul3A_517 = arith.mulf %add3A_514, %mul3A_516 : vector<1250x128xf32>
    %round3A_518 = math.roundeven %mul3A_517 : vector<1250x128xf32>
    %mul3A_519 = arith.constant 3.14159274 : f32
    %mul3A_520 = vector.broadcast %mul3A_519 : f32 to vector<1250x128xf32>
    %mul3A_521 = arith.mulf %round3A_518, %mul3A_520 : vector<1250x128xf32>
    %sub3A_522 = arith.subf %add3A_514, %mul3A_521 : vector<1250x128xf32>
    %convert_element_type3A_523 = arith.fptosi %round3A_518 : vector<1250x128xf32> to vector<1250x128xi32>
    %and3A_524 = arith.constant 1 : i32
    %and3A_525 = vector.broadcast %and3A_524 : i32 to vector<1250x128xi32>
    %and3A_526 = arith.andi %convert_element_type3A_523, %and3A_525 : vector<1250x128xi32>
    %shift_left3A_527 = arith.constant 31 : i32
    %shift_left3A_528 = vector.broadcast %shift_left3A_527 : i32 to vector<1250x128xi32>
    %shift_left3A_529 = arith.shli %and3A_526, %shift_left3A_528 : vector<1250x128xi32>
    %mul3A_530 = arith.mulf %sub3A_522, %sub3A_522 : vector<1250x128xf32>
    %mul3A_531 = arith.constant 2.75255616E-6 : f32
    %mul3A_532 = vector.broadcast %mul3A_531 : f32 to vector<1250x128xf32>
    %mul3A_533 = arith.mulf %mul3A_532, %mul3A_530 : vector<1250x128xf32>
    %add3A_534 = arith.constant -1.98408743E-4 : f32
    %add3A_535 = vector.broadcast %add3A_534 : f32 to vector<1250x128xf32>
    %add3A_536 = arith.addf %mul3A_533, %add3A_535 : vector<1250x128xf32>
    %mul3A_537 = arith.mulf %add3A_536, %mul3A_530 : vector<1250x128xf32>
    %add3A_538 = arith.constant 0.00833332911 : f32
    %add3A_539 = vector.broadcast %add3A_538 : f32 to vector<1250x128xf32>
    %add3A_540 = arith.addf %mul3A_537, %add3A_539 : vector<1250x128xf32>
    %mul3A_541 = arith.mulf %add3A_540, %mul3A_530 : vector<1250x128xf32>
    %add3A_542 = arith.constant -0.166666672 : f32
    %add3A_543 = vector.broadcast %add3A_542 : f32 to vector<1250x128xf32>
    %add3A_544 = arith.addf %mul3A_541, %add3A_543 : vector<1250x128xf32>
    %mul3A_545 = arith.mulf %mul3A_530, %add3A_544 : vector<1250x128xf32>
    %mul3A_546 = arith.mulf %sub3A_522, %mul3A_545 : vector<1250x128xf32>
    %add3A_547 = arith.addf %sub3A_522, %mul3A_546 : vector<1250x128xf32>
    %bitcast_convert_type3A_548 = tpu.bitcast %add3A_547 : vector<1250x128xf32> -> vector<1250x128xi32>
    %xor3A_549 = arith.xori %bitcast_convert_type3A_548, %shift_left3A_529 : vector<1250x128xi32>
    %bitcast_convert_type3A_550 = tpu.bitcast %xor3A_549 : vector<1250x128xi32> -> vector<1250x128xf32>
    %mul3A_551 = vector.broadcast %get3A_507 : f32 to vector<1250x128xf32>
    %mul3A_552 = arith.mulf %mul3A_551, %bitcast_convert_type3A_550 : vector<1250x128xf32>
    %add3A_553 = arith.addf %add3A_501, %mul3A_552 : vector<1250x128xf32>
    %get3A_554 = arith.constant 3 : index
    %get3A_555 = arith.constant 5 : index
    %get3A_556 = memref.load %arg1[%get3A_554, %get3A_555] : memref<5x10xf32, #tpu.memory_space<smem>>
    %mul3A_557 = vector.broadcast %get3A_504 : f32 to vector<1250x128xf32>
    %mul3A_558 = arith.mulf %get3A_4, %mul3A_557 : vector<1250x128xf32>
    %get3A_559 = arith.constant 4 : index
    %get3A_560 = arith.constant 5 : index
    %get3A_561 = memref.load %arg1[%get3A_559, %get3A_560] : memref<5x10xf32, #tpu.memory_space<smem>>
    %add3A_562 = vector.broadcast %get3A_561 : f32 to vector<1250x128xf32>
    %add3A_563 = arith.addf %mul3A_558, %add3A_562 : vector<1250x128xf32>
    %mul3A_564 = arith.constant 0.318309873 : f32
    %mul3A_565 = vector.broadcast %mul3A_564 : f32 to vector<1250x128xf32>
    %mul3A_566 = arith.mulf %add3A_563, %mul3A_565 : vector<1250x128xf32>
    %round3A_567 = math.roundeven %mul3A_566 : vector<1250x128xf32>
    %mul3A_568 = arith.constant 3.14159274 : f32
    %mul3A_569 = vector.broadcast %mul3A_568 : f32 to vector<1250x128xf32>
    %mul3A_570 = arith.mulf %round3A_567, %mul3A_569 : vector<1250x128xf32>
    %sub3A_571 = arith.subf %add3A_563, %mul3A_570 : vector<1250x128xf32>
    %convert_element_type3A_572 = arith.fptosi %round3A_567 : vector<1250x128xf32> to vector<1250x128xi32>
    %and3A_573 = arith.constant 1 : i32
    %and3A_574 = vector.broadcast %and3A_573 : i32 to vector<1250x128xi32>
    %and3A_575 = arith.andi %convert_element_type3A_572, %and3A_574 : vector<1250x128xi32>
    %shift_left3A_576 = arith.constant 31 : i32
    %shift_left3A_577 = vector.broadcast %shift_left3A_576 : i32 to vector<1250x128xi32>
    %shift_left3A_578 = arith.shli %and3A_575, %shift_left3A_577 : vector<1250x128xi32>
    %mul3A_579 = arith.mulf %sub3A_571, %sub3A_571 : vector<1250x128xf32>
    %mul3A_580 = arith.constant 2.75255616E-6 : f32
    %mul3A_581 = vector.broadcast %mul3A_580 : f32 to vector<1250x128xf32>
    %mul3A_582 = arith.mulf %mul3A_581, %mul3A_579 : vector<1250x128xf32>
    %add3A_583 = arith.constant -1.98408743E-4 : f32
    %add3A_584 = vector.broadcast %add3A_583 : f32 to vector<1250x128xf32>
    %add3A_585 = arith.addf %mul3A_582, %add3A_584 : vector<1250x128xf32>
    %mul3A_586 = arith.mulf %add3A_585, %mul3A_579 : vector<1250x128xf32>
    %add3A_587 = arith.constant 0.00833332911 : f32
    %add3A_588 = vector.broadcast %add3A_587 : f32 to vector<1250x128xf32>
    %add3A_589 = arith.addf %mul3A_586, %add3A_588 : vector<1250x128xf32>
    %mul3A_590 = arith.mulf %add3A_589, %mul3A_579 : vector<1250x128xf32>
    %add3A_591 = arith.constant -0.166666672 : f32
    %add3A_592 = vector.broadcast %add3A_591 : f32 to vector<1250x128xf32>
    %add3A_593 = arith.addf %mul3A_590, %add3A_592 : vector<1250x128xf32>
    %mul3A_594 = arith.mulf %mul3A_579, %add3A_593 : vector<1250x128xf32>
    %mul3A_595 = arith.mulf %sub3A_571, %mul3A_594 : vector<1250x128xf32>
    %add3A_596 = arith.addf %sub3A_571, %mul3A_595 : vector<1250x128xf32>
    %bitcast_convert_type3A_597 = tpu.bitcast %add3A_596 : vector<1250x128xf32> -> vector<1250x128xi32>
    %xor3A_598 = arith.xori %bitcast_convert_type3A_597, %shift_left3A_578 : vector<1250x128xi32>
    %bitcast_convert_type3A_599 = tpu.bitcast %xor3A_598 : vector<1250x128xi32> -> vector<1250x128xf32>
    %mul3A_600 = vector.broadcast %get3A_556 : f32 to vector<1250x128xf32>
    %mul3A_601 = arith.mulf %mul3A_600, %bitcast_convert_type3A_599 : vector<1250x128xf32>
    %add3A_602 = arith.addf %add3A_553, %mul3A_601 : vector<1250x128xf32>
    %get3A_603 = arith.constant 0 : index
    %get3A_604 = arith.constant 6 : index
    %get3A_605 = memref.load %arg1[%get3A_603, %get3A_604] : memref<5x10xf32, #tpu.memory_space<smem>>
    %get3A_606 = arith.constant 1 : index
    %get3A_607 = arith.constant 6 : index
    %get3A_608 = memref.load %arg1[%get3A_606, %get3A_607] : memref<5x10xf32, #tpu.memory_space<smem>>
    %mul3A_609 = vector.broadcast %get3A_605 : f32 to vector<1250x128xf32>
    %mul3A_610 = arith.mulf %get3A_1, %mul3A_609 : vector<1250x128xf32>
    %get3A_611 = arith.constant 2 : index
    %get3A_612 = arith.constant 6 : index
    %get3A_613 = memref.load %arg1[%get3A_611, %get3A_612] : memref<5x10xf32, #tpu.memory_space<smem>>
    %add3A_614 = vector.broadcast %get3A_613 : f32 to vector<1250x128xf32>
    %add3A_615 = arith.addf %mul3A_610, %add3A_614 : vector<1250x128xf32>
    %mul3A_616 = arith.constant 0.318309873 : f32
    %mul3A_617 = vector.broadcast %mul3A_616 : f32 to vector<1250x128xf32>
    %mul3A_618 = arith.mulf %add3A_615, %mul3A_617 : vector<1250x128xf32>
    %round3A_619 = math.roundeven %mul3A_618 : vector<1250x128xf32>
    %mul3A_620 = arith.constant 3.14159274 : f32
    %mul3A_621 = vector.broadcast %mul3A_620 : f32 to vector<1250x128xf32>
    %mul3A_622 = arith.mulf %round3A_619, %mul3A_621 : vector<1250x128xf32>
    %sub3A_623 = arith.subf %add3A_615, %mul3A_622 : vector<1250x128xf32>
    %convert_element_type3A_624 = arith.fptosi %round3A_619 : vector<1250x128xf32> to vector<1250x128xi32>
    %and3A_625 = arith.constant 1 : i32
    %and3A_626 = vector.broadcast %and3A_625 : i32 to vector<1250x128xi32>
    %and3A_627 = arith.andi %convert_element_type3A_624, %and3A_626 : vector<1250x128xi32>
    %shift_left3A_628 = arith.constant 31 : i32
    %shift_left3A_629 = vector.broadcast %shift_left3A_628 : i32 to vector<1250x128xi32>
    %shift_left3A_630 = arith.shli %and3A_627, %shift_left3A_629 : vector<1250x128xi32>
    %mul3A_631 = arith.mulf %sub3A_623, %sub3A_623 : vector<1250x128xf32>
    %mul3A_632 = arith.constant 2.75255616E-6 : f32
    %mul3A_633 = vector.broadcast %mul3A_632 : f32 to vector<1250x128xf32>
    %mul3A_634 = arith.mulf %mul3A_633, %mul3A_631 : vector<1250x128xf32>
    %add3A_635 = arith.constant -1.98408743E-4 : f32
    %add3A_636 = vector.broadcast %add3A_635 : f32 to vector<1250x128xf32>
    %add3A_637 = arith.addf %mul3A_634, %add3A_636 : vector<1250x128xf32>
    %mul3A_638 = arith.mulf %add3A_637, %mul3A_631 : vector<1250x128xf32>
    %add3A_639 = arith.constant 0.00833332911 : f32
    %add3A_640 = vector.broadcast %add3A_639 : f32 to vector<1250x128xf32>
    %add3A_641 = arith.addf %mul3A_638, %add3A_640 : vector<1250x128xf32>
    %mul3A_642 = arith.mulf %add3A_641, %mul3A_631 : vector<1250x128xf32>
    %add3A_643 = arith.constant -0.166666672 : f32
    %add3A_644 = vector.broadcast %add3A_643 : f32 to vector<1250x128xf32>
    %add3A_645 = arith.addf %mul3A_642, %add3A_644 : vector<1250x128xf32>
    %mul3A_646 = arith.mulf %mul3A_631, %add3A_645 : vector<1250x128xf32>
    %mul3A_647 = arith.mulf %sub3A_623, %mul3A_646 : vector<1250x128xf32>
    %add3A_648 = arith.addf %sub3A_623, %mul3A_647 : vector<1250x128xf32>
    %bitcast_convert_type3A_649 = tpu.bitcast %add3A_648 : vector<1250x128xf32> -> vector<1250x128xi32>
    %xor3A_650 = arith.xori %bitcast_convert_type3A_649, %shift_left3A_630 : vector<1250x128xi32>
    %bitcast_convert_type3A_651 = tpu.bitcast %xor3A_650 : vector<1250x128xi32> -> vector<1250x128xf32>
    %mul3A_652 = vector.broadcast %get3A_608 : f32 to vector<1250x128xf32>
    %mul3A_653 = arith.mulf %mul3A_652, %bitcast_convert_type3A_651 : vector<1250x128xf32>
    %add3A_654 = arith.addf %add3A_602, %mul3A_653 : vector<1250x128xf32>
    %get3A_655 = arith.constant 3 : index
    %get3A_656 = arith.constant 6 : index
    %get3A_657 = memref.load %arg1[%get3A_655, %get3A_656] : memref<5x10xf32, #tpu.memory_space<smem>>
    %mul3A_658 = vector.broadcast %get3A_605 : f32 to vector<1250x128xf32>
    %mul3A_659 = arith.mulf %get3A_4, %mul3A_658 : vector<1250x128xf32>
    %get3A_660 = arith.constant 4 : index
    %get3A_661 = arith.constant 6 : index
    %get3A_662 = memref.load %arg1[%get3A_660, %get3A_661] : memref<5x10xf32, #tpu.memory_space<smem>>
    %add3A_663 = vector.broadcast %get3A_662 : f32 to vector<1250x128xf32>
    %add3A_664 = arith.addf %mul3A_659, %add3A_663 : vector<1250x128xf32>
    %mul3A_665 = arith.constant 0.318309873 : f32
    %mul3A_666 = vector.broadcast %mul3A_665 : f32 to vector<1250x128xf32>
    %mul3A_667 = arith.mulf %add3A_664, %mul3A_666 : vector<1250x128xf32>
    %round3A_668 = math.roundeven %mul3A_667 : vector<1250x128xf32>
    %mul3A_669 = arith.constant 3.14159274 : f32
    %mul3A_670 = vector.broadcast %mul3A_669 : f32 to vector<1250x128xf32>
    %mul3A_671 = arith.mulf %round3A_668, %mul3A_670 : vector<1250x128xf32>
    %sub3A_672 = arith.subf %add3A_664, %mul3A_671 : vector<1250x128xf32>
    %convert_element_type3A_673 = arith.fptosi %round3A_668 : vector<1250x128xf32> to vector<1250x128xi32>
    %and3A_674 = arith.constant 1 : i32
    %and3A_675 = vector.broadcast %and3A_674 : i32 to vector<1250x128xi32>
    %and3A_676 = arith.andi %convert_element_type3A_673, %and3A_675 : vector<1250x128xi32>
    %shift_left3A_677 = arith.constant 31 : i32
    %shift_left3A_678 = vector.broadcast %shift_left3A_677 : i32 to vector<1250x128xi32>
    %shift_left3A_679 = arith.shli %and3A_676, %shift_left3A_678 : vector<1250x128xi32>
    %mul3A_680 = arith.mulf %sub3A_672, %sub3A_672 : vector<1250x128xf32>
    %mul3A_681 = arith.constant 2.75255616E-6 : f32
    %mul3A_682 = vector.broadcast %mul3A_681 : f32 to vector<1250x128xf32>
    %mul3A_683 = arith.mulf %mul3A_682, %mul3A_680 : vector<1250x128xf32>
    %add3A_684 = arith.constant -1.98408743E-4 : f32
    %add3A_685 = vector.broadcast %add3A_684 : f32 to vector<1250x128xf32>
    %add3A_686 = arith.addf %mul3A_683, %add3A_685 : vector<1250x128xf32>
    %mul3A_687 = arith.mulf %add3A_686, %mul3A_680 : vector<1250x128xf32>
    %add3A_688 = arith.constant 0.00833332911 : f32
    %add3A_689 = vector.broadcast %add3A_688 : f32 to vector<1250x128xf32>
    %add3A_690 = arith.addf %mul3A_687, %add3A_689 : vector<1250x128xf32>
    %mul3A_691 = arith.mulf %add3A_690, %mul3A_680 : vector<1250x128xf32>
    %add3A_692 = arith.constant -0.166666672 : f32
    %add3A_693 = vector.broadcast %add3A_692 : f32 to vector<1250x128xf32>
    %add3A_694 = arith.addf %mul3A_691, %add3A_693 : vector<1250x128xf32>
    %mul3A_695 = arith.mulf %mul3A_680, %add3A_694 : vector<1250x128xf32>
    %mul3A_696 = arith.mulf %sub3A_672, %mul3A_695 : vector<1250x128xf32>
    %add3A_697 = arith.addf %sub3A_672, %mul3A_696 : vector<1250x128xf32>
    %bitcast_convert_type3A_698 = tpu.bitcast %add3A_697 : vector<1250x128xf32> -> vector<1250x128xi32>
    %xor3A_699 = arith.xori %bitcast_convert_type3A_698, %shift_left3A_679 : vector<1250x128xi32>
    %bitcast_convert_type3A_700 = tpu.bitcast %xor3A_699 : vector<1250x128xi32> -> vector<1250x128xf32>
    %mul3A_701 = vector.broadcast %get3A_657 : f32 to vector<1250x128xf32>
    %mul3A_702 = arith.mulf %mul3A_701, %bitcast_convert_type3A_700 : vector<1250x128xf32>
    %add3A_703 = arith.addf %add3A_654, %mul3A_702 : vector<1250x128xf32>
    %get3A_704 = arith.constant 0 : index
    %get3A_705 = arith.constant 7 : index
    %get3A_706 = memref.load %arg1[%get3A_704, %get3A_705] : memref<5x10xf32, #tpu.memory_space<smem>>
    %get3A_707 = arith.constant 1 : index
    %get3A_708 = arith.constant 7 : index
    %get3A_709 = memref.load %arg1[%get3A_707, %get3A_708] : memref<5x10xf32, #tpu.memory_space<smem>>
    %mul3A_710 = vector.broadcast %get3A_706 : f32 to vector<1250x128xf32>
    %mul3A_711 = arith.mulf %get3A_1, %mul3A_710 : vector<1250x128xf32>
    %get3A_712 = arith.constant 2 : index
    %get3A_713 = arith.constant 7 : index
    %get3A_714 = memref.load %arg1[%get3A_712, %get3A_713] : memref<5x10xf32, #tpu.memory_space<smem>>
    %add3A_715 = vector.broadcast %get3A_714 : f32 to vector<1250x128xf32>
    %add3A_716 = arith.addf %mul3A_711, %add3A_715 : vector<1250x128xf32>
    %mul3A_717 = arith.constant 0.318309873 : f32
    %mul3A_718 = vector.broadcast %mul3A_717 : f32 to vector<1250x128xf32>
    %mul3A_719 = arith.mulf %add3A_716, %mul3A_718 : vector<1250x128xf32>
    %round3A_720 = math.roundeven %mul3A_719 : vector<1250x128xf32>
    %mul3A_721 = arith.constant 3.14159274 : f32
    %mul3A_722 = vector.broadcast %mul3A_721 : f32 to vector<1250x128xf32>
    %mul3A_723 = arith.mulf %round3A_720, %mul3A_722 : vector<1250x128xf32>
    %sub3A_724 = arith.subf %add3A_716, %mul3A_723 : vector<1250x128xf32>
    %convert_element_type3A_725 = arith.fptosi %round3A_720 : vector<1250x128xf32> to vector<1250x128xi32>
    %and3A_726 = arith.constant 1 : i32
    %and3A_727 = vector.broadcast %and3A_726 : i32 to vector<1250x128xi32>
    %and3A_728 = arith.andi %convert_element_type3A_725, %and3A_727 : vector<1250x128xi32>
    %shift_left3A_729 = arith.constant 31 : i32
    %shift_left3A_730 = vector.broadcast %shift_left3A_729 : i32 to vector<1250x128xi32>
    %shift_left3A_731 = arith.shli %and3A_728, %shift_left3A_730 : vector<1250x128xi32>
    %mul3A_732 = arith.mulf %sub3A_724, %sub3A_724 : vector<1250x128xf32>
    %mul3A_733 = arith.constant 2.75255616E-6 : f32
    %mul3A_734 = vector.broadcast %mul3A_733 : f32 to vector<1250x128xf32>
    %mul3A_735 = arith.mulf %mul3A_734, %mul3A_732 : vector<1250x128xf32>
    %add3A_736 = arith.constant -1.98408743E-4 : f32
    %add3A_737 = vector.broadcast %add3A_736 : f32 to vector<1250x128xf32>
    %add3A_738 = arith.addf %mul3A_735, %add3A_737 : vector<1250x128xf32>
    %mul3A_739 = arith.mulf %add3A_738, %mul3A_732 : vector<1250x128xf32>
    %add3A_740 = arith.constant 0.00833332911 : f32
    %add3A_741 = vector.broadcast %add3A_740 : f32 to vector<1250x128xf32>
    %add3A_742 = arith.addf %mul3A_739, %add3A_741 : vector<1250x128xf32>
    %mul3A_743 = arith.mulf %add3A_742, %mul3A_732 : vector<1250x128xf32>
    %add3A_744 = arith.constant -0.166666672 : f32
    %add3A_745 = vector.broadcast %add3A_744 : f32 to vector<1250x128xf32>
    %add3A_746 = arith.addf %mul3A_743, %add3A_745 : vector<1250x128xf32>
    %mul3A_747 = arith.mulf %mul3A_732, %add3A_746 : vector<1250x128xf32>
    %mul3A_748 = arith.mulf %sub3A_724, %mul3A_747 : vector<1250x128xf32>
    %add3A_749 = arith.addf %sub3A_724, %mul3A_748 : vector<1250x128xf32>
    %bitcast_convert_type3A_750 = tpu.bitcast %add3A_749 : vector<1250x128xf32> -> vector<1250x128xi32>
    %xor3A_751 = arith.xori %bitcast_convert_type3A_750, %shift_left3A_731 : vector<1250x128xi32>
    %bitcast_convert_type3A_752 = tpu.bitcast %xor3A_751 : vector<1250x128xi32> -> vector<1250x128xf32>
    %mul3A_753 = vector.broadcast %get3A_709 : f32 to vector<1250x128xf32>
    %mul3A_754 = arith.mulf %mul3A_753, %bitcast_convert_type3A_752 : vector<1250x128xf32>
    %add3A_755 = arith.addf %add3A_703, %mul3A_754 : vector<1250x128xf32>
    %get3A_756 = arith.constant 3 : index
    %get3A_757 = arith.constant 7 : index
    %get3A_758 = memref.load %arg1[%get3A_756, %get3A_757] : memref<5x10xf32, #tpu.memory_space<smem>>
    %mul3A_759 = vector.broadcast %get3A_706 : f32 to vector<1250x128xf32>
    %mul3A_760 = arith.mulf %get3A_4, %mul3A_759 : vector<1250x128xf32>
    %get3A_761 = arith.constant 4 : index
    %get3A_762 = arith.constant 7 : index
    %get3A_763 = memref.load %arg1[%get3A_761, %get3A_762] : memref<5x10xf32, #tpu.memory_space<smem>>
    %add3A_764 = vector.broadcast %get3A_763 : f32 to vector<1250x128xf32>
    %add3A_765 = arith.addf %mul3A_760, %add3A_764 : vector<1250x128xf32>
    %mul3A_766 = arith.constant 0.318309873 : f32
    %mul3A_767 = vector.broadcast %mul3A_766 : f32 to vector<1250x128xf32>
    %mul3A_768 = arith.mulf %add3A_765, %mul3A_767 : vector<1250x128xf32>
    %round3A_769 = math.roundeven %mul3A_768 : vector<1250x128xf32>
    %mul3A_770 = arith.constant 3.14159274 : f32
    %mul3A_771 = vector.broadcast %mul3A_770 : f32 to vector<1250x128xf32>
    %mul3A_772 = arith.mulf %round3A_769, %mul3A_771 : vector<1250x128xf32>
    %sub3A_773 = arith.subf %add3A_765, %mul3A_772 : vector<1250x128xf32>
    %convert_element_type3A_774 = arith.fptosi %round3A_769 : vector<1250x128xf32> to vector<1250x128xi32>
    %and3A_775 = arith.constant 1 : i32
    %and3A_776 = vector.broadcast %and3A_775 : i32 to vector<1250x128xi32>
    %and3A_777 = arith.andi %convert_element_type3A_774, %and3A_776 : vector<1250x128xi32>
    %shift_left3A_778 = arith.constant 31 : i32
    %shift_left3A_779 = vector.broadcast %shift_left3A_778 : i32 to vector<1250x128xi32>
    %shift_left3A_780 = arith.shli %and3A_777, %shift_left3A_779 : vector<1250x128xi32>
    %mul3A_781 = arith.mulf %sub3A_773, %sub3A_773 : vector<1250x128xf32>
    %mul3A_782 = arith.constant 2.75255616E-6 : f32
    %mul3A_783 = vector.broadcast %mul3A_782 : f32 to vector<1250x128xf32>
    %mul3A_784 = arith.mulf %mul3A_783, %mul3A_781 : vector<1250x128xf32>
    %add3A_785 = arith.constant -1.98408743E-4 : f32
    %add3A_786 = vector.broadcast %add3A_785 : f32 to vector<1250x128xf32>
    %add3A_787 = arith.addf %mul3A_784, %add3A_786 : vector<1250x128xf32>
    %mul3A_788 = arith.mulf %add3A_787, %mul3A_781 : vector<1250x128xf32>
    %add3A_789 = arith.constant 0.00833332911 : f32
    %add3A_790 = vector.broadcast %add3A_789 : f32 to vector<1250x128xf32>
    %add3A_791 = arith.addf %mul3A_788, %add3A_790 : vector<1250x128xf32>
    %mul3A_792 = arith.mulf %add3A_791, %mul3A_781 : vector<1250x128xf32>
    %add3A_793 = arith.constant -0.166666672 : f32
    %add3A_794 = vector.broadcast %add3A_793 : f32 to vector<1250x128xf32>
    %add3A_795 = arith.addf %mul3A_792, %add3A_794 : vector<1250x128xf32>
    %mul3A_796 = arith.mulf %mul3A_781, %add3A_795 : vector<1250x128xf32>
    %mul3A_797 = arith.mulf %sub3A_773, %mul3A_796 : vector<1250x128xf32>
    %add3A_798 = arith.addf %sub3A_773, %mul3A_797 : vector<1250x128xf32>
    %bitcast_convert_type3A_799 = tpu.bitcast %add3A_798 : vector<1250x128xf32> -> vector<1250x128xi32>
    %xor3A_800 = arith.xori %bitcast_convert_type3A_799, %shift_left3A_780 : vector<1250x128xi32>
    %bitcast_convert_type3A_801 = tpu.bitcast %xor3A_800 : vector<1250x128xi32> -> vector<1250x128xf32>
    %mul3A_802 = vector.broadcast %get3A_758 : f32 to vector<1250x128xf32>
    %mul3A_803 = arith.mulf %mul3A_802, %bitcast_convert_type3A_801 : vector<1250x128xf32>
    %add3A_804 = arith.addf %add3A_755, %mul3A_803 : vector<1250x128xf32>
    %get3A_805 = arith.constant 0 : index
    %get3A_806 = arith.constant 8 : index
    %get3A_807 = memref.load %arg1[%get3A_805, %get3A_806] : memref<5x10xf32, #tpu.memory_space<smem>>
    %get3A_808 = arith.constant 1 : index
    %get3A_809 = arith.constant 8 : index
    %get3A_810 = memref.load %arg1[%get3A_808, %get3A_809] : memref<5x10xf32, #tpu.memory_space<smem>>
    %mul3A_811 = vector.broadcast %get3A_807 : f32 to vector<1250x128xf32>
    %mul3A_812 = arith.mulf %get3A_1, %mul3A_811 : vector<1250x128xf32>
    %get3A_813 = arith.constant 2 : index
    %get3A_814 = arith.constant 8 : index
    %get3A_815 = memref.load %arg1[%get3A_813, %get3A_814] : memref<5x10xf32, #tpu.memory_space<smem>>
    %add3A_816 = vector.broadcast %get3A_815 : f32 to vector<1250x128xf32>
    %add3A_817 = arith.addf %mul3A_812, %add3A_816 : vector<1250x128xf32>
    %mul3A_818 = arith.constant 0.318309873 : f32
    %mul3A_819 = vector.broadcast %mul3A_818 : f32 to vector<1250x128xf32>
    %mul3A_820 = arith.mulf %add3A_817, %mul3A_819 : vector<1250x128xf32>
    %round3A_821 = math.roundeven %mul3A_820 : vector<1250x128xf32>
    %mul3A_822 = arith.constant 3.14159274 : f32
    %mul3A_823 = vector.broadcast %mul3A_822 : f32 to vector<1250x128xf32>
    %mul3A_824 = arith.mulf %round3A_821, %mul3A_823 : vector<1250x128xf32>
    %sub3A_825 = arith.subf %add3A_817, %mul3A_824 : vector<1250x128xf32>
    %convert_element_type3A_826 = arith.fptosi %round3A_821 : vector<1250x128xf32> to vector<1250x128xi32>
    %and3A_827 = arith.constant 1 : i32
    %and3A_828 = vector.broadcast %and3A_827 : i32 to vector<1250x128xi32>
    %and3A_829 = arith.andi %convert_element_type3A_826, %and3A_828 : vector<1250x128xi32>
    %shift_left3A_830 = arith.constant 31 : i32
    %shift_left3A_831 = vector.broadcast %shift_left3A_830 : i32 to vector<1250x128xi32>
    %shift_left3A_832 = arith.shli %and3A_829, %shift_left3A_831 : vector<1250x128xi32>
    %mul3A_833 = arith.mulf %sub3A_825, %sub3A_825 : vector<1250x128xf32>
    %mul3A_834 = arith.constant 2.75255616E-6 : f32
    %mul3A_835 = vector.broadcast %mul3A_834 : f32 to vector<1250x128xf32>
    %mul3A_836 = arith.mulf %mul3A_835, %mul3A_833 : vector<1250x128xf32>
    %add3A_837 = arith.constant -1.98408743E-4 : f32
    %add3A_838 = vector.broadcast %add3A_837 : f32 to vector<1250x128xf32>
    %add3A_839 = arith.addf %mul3A_836, %add3A_838 : vector<1250x128xf32>
    %mul3A_840 = arith.mulf %add3A_839, %mul3A_833 : vector<1250x128xf32>
    %add3A_841 = arith.constant 0.00833332911 : f32
    %add3A_842 = vector.broadcast %add3A_841 : f32 to vector<1250x128xf32>
    %add3A_843 = arith.addf %mul3A_840, %add3A_842 : vector<1250x128xf32>
    %mul3A_844 = arith.mulf %add3A_843, %mul3A_833 : vector<1250x128xf32>
    %add3A_845 = arith.constant -0.166666672 : f32
    %add3A_846 = vector.broadcast %add3A_845 : f32 to vector<1250x128xf32>
    %add3A_847 = arith.addf %mul3A_844, %add3A_846 : vector<1250x128xf32>
    %mul3A_848 = arith.mulf %mul3A_833, %add3A_847 : vector<1250x128xf32>
    %mul3A_849 = arith.mulf %sub3A_825, %mul3A_848 : vector<1250x128xf32>
    %add3A_850 = arith.addf %sub3A_825, %mul3A_849 : vector<1250x128xf32>
    %bitcast_convert_type3A_851 = tpu.bitcast %add3A_850 : vector<1250x128xf32> -> vector<1250x128xi32>
    %xor3A_852 = arith.xori %bitcast_convert_type3A_851, %shift_left3A_832 : vector<1250x128xi32>
    %bitcast_convert_type3A_853 = tpu.bitcast %xor3A_852 : vector<1250x128xi32> -> vector<1250x128xf32>
    %mul3A_854 = vector.broadcast %get3A_810 : f32 to vector<1250x128xf32>
    %mul3A_855 = arith.mulf %mul3A_854, %bitcast_convert_type3A_853 : vector<1250x128xf32>
    %add3A_856 = arith.addf %add3A_804, %mul3A_855 : vector<1250x128xf32>
    %get3A_857 = arith.constant 3 : index
    %get3A_858 = arith.constant 8 : index
    %get3A_859 = memref.load %arg1[%get3A_857, %get3A_858] : memref<5x10xf32, #tpu.memory_space<smem>>
    %mul3A_860 = vector.broadcast %get3A_807 : f32 to vector<1250x128xf32>
    %mul3A_861 = arith.mulf %get3A_4, %mul3A_860 : vector<1250x128xf32>
    %get3A_862 = arith.constant 4 : index
    %get3A_863 = arith.constant 8 : index
    %get3A_864 = memref.load %arg1[%get3A_862, %get3A_863] : memref<5x10xf32, #tpu.memory_space<smem>>
    %add3A_865 = vector.broadcast %get3A_864 : f32 to vector<1250x128xf32>
    %add3A_866 = arith.addf %mul3A_861, %add3A_865 : vector<1250x128xf32>
    %mul3A_867 = arith.constant 0.318309873 : f32
    %mul3A_868 = vector.broadcast %mul3A_867 : f32 to vector<1250x128xf32>
    %mul3A_869 = arith.mulf %add3A_866, %mul3A_868 : vector<1250x128xf32>
    %round3A_870 = math.roundeven %mul3A_869 : vector<1250x128xf32>
    %mul3A_871 = arith.constant 3.14159274 : f32
    %mul3A_872 = vector.broadcast %mul3A_871 : f32 to vector<1250x128xf32>
    %mul3A_873 = arith.mulf %round3A_870, %mul3A_872 : vector<1250x128xf32>
    %sub3A_874 = arith.subf %add3A_866, %mul3A_873 : vector<1250x128xf32>
    %convert_element_type3A_875 = arith.fptosi %round3A_870 : vector<1250x128xf32> to vector<1250x128xi32>
    %and3A_876 = arith.constant 1 : i32
    %and3A_877 = vector.broadcast %and3A_876 : i32 to vector<1250x128xi32>
    %and3A_878 = arith.andi %convert_element_type3A_875, %and3A_877 : vector<1250x128xi32>
    %shift_left3A_879 = arith.constant 31 : i32
    %shift_left3A_880 = vector.broadcast %shift_left3A_879 : i32 to vector<1250x128xi32>
    %shift_left3A_881 = arith.shli %and3A_878, %shift_left3A_880 : vector<1250x128xi32>
    %mul3A_882 = arith.mulf %sub3A_874, %sub3A_874 : vector<1250x128xf32>
    %mul3A_883 = arith.constant 2.75255616E-6 : f32
    %mul3A_884 = vector.broadcast %mul3A_883 : f32 to vector<1250x128xf32>
    %mul3A_885 = arith.mulf %mul3A_884, %mul3A_882 : vector<1250x128xf32>
    %add3A_886 = arith.constant -1.98408743E-4 : f32
    %add3A_887 = vector.broadcast %add3A_886 : f32 to vector<1250x128xf32>
    %add3A_888 = arith.addf %mul3A_885, %add3A_887 : vector<1250x128xf32>
    %mul3A_889 = arith.mulf %add3A_888, %mul3A_882 : vector<1250x128xf32>
    %add3A_890 = arith.constant 0.00833332911 : f32
    %add3A_891 = vector.broadcast %add3A_890 : f32 to vector<1250x128xf32>
    %add3A_892 = arith.addf %mul3A_889, %add3A_891 : vector<1250x128xf32>
    %mul3A_893 = arith.mulf %add3A_892, %mul3A_882 : vector<1250x128xf32>
    %add3A_894 = arith.constant -0.166666672 : f32
    %add3A_895 = vector.broadcast %add3A_894 : f32 to vector<1250x128xf32>
    %add3A_896 = arith.addf %mul3A_893, %add3A_895 : vector<1250x128xf32>
    %mul3A_897 = arith.mulf %mul3A_882, %add3A_896 : vector<1250x128xf32>
    %mul3A_898 = arith.mulf %sub3A_874, %mul3A_897 : vector<1250x128xf32>
    %add3A_899 = arith.addf %sub3A_874, %mul3A_898 : vector<1250x128xf32>
    %bitcast_convert_type3A_900 = tpu.bitcast %add3A_899 : vector<1250x128xf32> -> vector<1250x128xi32>
    %xor3A_901 = arith.xori %bitcast_convert_type3A_900, %shift_left3A_881 : vector<1250x128xi32>
    %bitcast_convert_type3A_902 = tpu.bitcast %xor3A_901 : vector<1250x128xi32> -> vector<1250x128xf32>
    %mul3A_903 = vector.broadcast %get3A_859 : f32 to vector<1250x128xf32>
    %mul3A_904 = arith.mulf %mul3A_903, %bitcast_convert_type3A_902 : vector<1250x128xf32>
    %add3A_905 = arith.addf %add3A_856, %mul3A_904 : vector<1250x128xf32>
    %get3A_906 = arith.constant 0 : index
    %get3A_907 = arith.constant 9 : index
    %get3A_908 = memref.load %arg1[%get3A_906, %get3A_907] : memref<5x10xf32, #tpu.memory_space<smem>>
    %get3A_909 = arith.constant 1 : index
    %get3A_910 = arith.constant 9 : index
    %get3A_911 = memref.load %arg1[%get3A_909, %get3A_910] : memref<5x10xf32, #tpu.memory_space<smem>>
    %mul3A_912 = vector.broadcast %get3A_908 : f32 to vector<1250x128xf32>
    %mul3A_913 = arith.mulf %get3A_1, %mul3A_912 : vector<1250x128xf32>
    %get3A_914 = arith.constant 2 : index
    %get3A_915 = arith.constant 9 : index
    %get3A_916 = memref.load %arg1[%get3A_914, %get3A_915] : memref<5x10xf32, #tpu.memory_space<smem>>
    %add3A_917 = vector.broadcast %get3A_916 : f32 to vector<1250x128xf32>
    %add3A_918 = arith.addf %mul3A_913, %add3A_917 : vector<1250x128xf32>
    %mul3A_919 = arith.constant 0.318309873 : f32
    %mul3A_920 = vector.broadcast %mul3A_919 : f32 to vector<1250x128xf32>
    %mul3A_921 = arith.mulf %add3A_918, %mul3A_920 : vector<1250x128xf32>
    %round3A_922 = math.roundeven %mul3A_921 : vector<1250x128xf32>
    %mul3A_923 = arith.constant 3.14159274 : f32
    %mul3A_924 = vector.broadcast %mul3A_923 : f32 to vector<1250x128xf32>
    %mul3A_925 = arith.mulf %round3A_922, %mul3A_924 : vector<1250x128xf32>
    %sub3A_926 = arith.subf %add3A_918, %mul3A_925 : vector<1250x128xf32>
    %convert_element_type3A_927 = arith.fptosi %round3A_922 : vector<1250x128xf32> to vector<1250x128xi32>
    %and3A_928 = arith.constant 1 : i32
    %and3A_929 = vector.broadcast %and3A_928 : i32 to vector<1250x128xi32>
    %and3A_930 = arith.andi %convert_element_type3A_927, %and3A_929 : vector<1250x128xi32>
    %shift_left3A_931 = arith.constant 31 : i32
    %shift_left3A_932 = vector.broadcast %shift_left3A_931 : i32 to vector<1250x128xi32>
    %shift_left3A_933 = arith.shli %and3A_930, %shift_left3A_932 : vector<1250x128xi32>
    %mul3A_934 = arith.mulf %sub3A_926, %sub3A_926 : vector<1250x128xf32>
    %mul3A_935 = arith.constant 2.75255616E-6 : f32
    %mul3A_936 = vector.broadcast %mul3A_935 : f32 to vector<1250x128xf32>
    %mul3A_937 = arith.mulf %mul3A_936, %mul3A_934 : vector<1250x128xf32>
    %add3A_938 = arith.constant -1.98408743E-4 : f32
    %add3A_939 = vector.broadcast %add3A_938 : f32 to vector<1250x128xf32>
    %add3A_940 = arith.addf %mul3A_937, %add3A_939 : vector<1250x128xf32>
    %mul3A_941 = arith.mulf %add3A_940, %mul3A_934 : vector<1250x128xf32>
    %add3A_942 = arith.constant 0.00833332911 : f32
    %add3A_943 = vector.broadcast %add3A_942 : f32 to vector<1250x128xf32>
    %add3A_944 = arith.addf %mul3A_941, %add3A_943 : vector<1250x128xf32>
    %mul3A_945 = arith.mulf %add3A_944, %mul3A_934 : vector<1250x128xf32>
    %add3A_946 = arith.constant -0.166666672 : f32
    %add3A_947 = vector.broadcast %add3A_946 : f32 to vector<1250x128xf32>
    %add3A_948 = arith.addf %mul3A_945, %add3A_947 : vector<1250x128xf32>
    %mul3A_949 = arith.mulf %mul3A_934, %add3A_948 : vector<1250x128xf32>
    %mul3A_950 = arith.mulf %sub3A_926, %mul3A_949 : vector<1250x128xf32>
    %add3A_951 = arith.addf %sub3A_926, %mul3A_950 : vector<1250x128xf32>
    %bitcast_convert_type3A_952 = tpu.bitcast %add3A_951 : vector<1250x128xf32> -> vector<1250x128xi32>
    %xor3A_953 = arith.xori %bitcast_convert_type3A_952, %shift_left3A_933 : vector<1250x128xi32>
    %bitcast_convert_type3A_954 = tpu.bitcast %xor3A_953 : vector<1250x128xi32> -> vector<1250x128xf32>
    %mul3A_955 = vector.broadcast %get3A_911 : f32 to vector<1250x128xf32>
    %mul3A_956 = arith.mulf %mul3A_955, %bitcast_convert_type3A_954 : vector<1250x128xf32>
    %add3A_957 = arith.addf %add3A_905, %mul3A_956 : vector<1250x128xf32>
    %get3A_958 = arith.constant 3 : index
    %get3A_959 = arith.constant 9 : index
    %get3A_960 = memref.load %arg1[%get3A_958, %get3A_959] : memref<5x10xf32, #tpu.memory_space<smem>>
    %mul3A_961 = vector.broadcast %get3A_908 : f32 to vector<1250x128xf32>
    %mul3A_962 = arith.mulf %get3A_4, %mul3A_961 : vector<1250x128xf32>
    %get3A_963 = arith.constant 4 : index
    %get3A_964 = arith.constant 9 : index
    %get3A_965 = memref.load %arg1[%get3A_963, %get3A_964] : memref<5x10xf32, #tpu.memory_space<smem>>
    %add3A_966 = vector.broadcast %get3A_965 : f32 to vector<1250x128xf32>
    %add3A_967 = arith.addf %mul3A_962, %add3A_966 : vector<1250x128xf32>
    %mul3A_968 = arith.constant 0.318309873 : f32
    %mul3A_969 = vector.broadcast %mul3A_968 : f32 to vector<1250x128xf32>
    %mul3A_970 = arith.mulf %add3A_967, %mul3A_969 : vector<1250x128xf32>
    %round3A_971 = math.roundeven %mul3A_970 : vector<1250x128xf32>
    %mul3A_972 = arith.constant 3.14159274 : f32
    %mul3A_973 = vector.broadcast %mul3A_972 : f32 to vector<1250x128xf32>
    %mul3A_974 = arith.mulf %round3A_971, %mul3A_973 : vector<1250x128xf32>
    %sub3A_975 = arith.subf %add3A_967, %mul3A_974 : vector<1250x128xf32>
    %convert_element_type3A_976 = arith.fptosi %round3A_971 : vector<1250x128xf32> to vector<1250x128xi32>
    %and3A_977 = arith.constant 1 : i32
    %and3A_978 = vector.broadcast %and3A_977 : i32 to vector<1250x128xi32>
    %and3A_979 = arith.andi %convert_element_type3A_976, %and3A_978 : vector<1250x128xi32>
    %shift_left3A_980 = arith.constant 31 : i32
    %shift_left3A_981 = vector.broadcast %shift_left3A_980 : i32 to vector<1250x128xi32>
    %shift_left3A_982 = arith.shli %and3A_979, %shift_left3A_981 : vector<1250x128xi32>
    %mul3A_983 = arith.mulf %sub3A_975, %sub3A_975 : vector<1250x128xf32>
    %mul3A_984 = arith.constant 2.75255616E-6 : f32
    %mul3A_985 = vector.broadcast %mul3A_984 : f32 to vector<1250x128xf32>
    %mul3A_986 = arith.mulf %mul3A_985, %mul3A_983 : vector<1250x128xf32>
    %add3A_987 = arith.constant -1.98408743E-4 : f32
    %add3A_988 = vector.broadcast %add3A_987 : f32 to vector<1250x128xf32>
    %add3A_989 = arith.addf %mul3A_986, %add3A_988 : vector<1250x128xf32>
    %mul3A_990 = arith.mulf %add3A_989, %mul3A_983 : vector<1250x128xf32>
    %add3A_991 = arith.constant 0.00833332911 : f32
    %add3A_992 = vector.broadcast %add3A_991 : f32 to vector<1250x128xf32>
    %add3A_993 = arith.addf %mul3A_990, %add3A_992 : vector<1250x128xf32>
    %mul3A_994 = arith.mulf %add3A_993, %mul3A_983 : vector<1250x128xf32>
    %add3A_995 = arith.constant -0.166666672 : f32
    %add3A_996 = vector.broadcast %add3A_995 : f32 to vector<1250x128xf32>
    %add3A_997 = arith.addf %mul3A_994, %add3A_996 : vector<1250x128xf32>
    %mul3A_998 = arith.mulf %mul3A_983, %add3A_997 : vector<1250x128xf32>
    %mul3A_999 = arith.mulf %sub3A_975, %mul3A_998 : vector<1250x128xf32>
    %add3A_1000 = arith.addf %sub3A_975, %mul3A_999 : vector<1250x128xf32>
    %bitcast_convert_type3A_1001 = tpu.bitcast %add3A_1000 : vector<1250x128xf32> -> vector<1250x128xi32>
    %xor3A_1002 = arith.xori %bitcast_convert_type3A_1001, %shift_left3A_982 : vector<1250x128xi32>
    %bitcast_convert_type3A_1003 = tpu.bitcast %xor3A_1002 : vector<1250x128xi32> -> vector<1250x128xf32>
    %mul3A_1004 = vector.broadcast %get3A_960 : f32 to vector<1250x128xf32>
    %mul3A_1005 = arith.mulf %mul3A_1004, %bitcast_convert_type3A_1003 : vector<1250x128xf32>
    %add3A_1006 = arith.addf %add3A_957, %mul3A_1005 : vector<1250x128xf32>
    %swap3A = arith.constant 0 : index
    %swap3A_1007 = arith.constant 0 : index
    %swap3A_1008 = vector.load %arg4[%swap3A, %swap3A_1007] : memref<1250x128xf32, #tpu.memory_space<vmem>>, vector<1250x128xf32>
    tpu.vector_store %arg4[%swap3A, %swap3A_1007], %add3A_1006 {strides = array<i32>} : memref<1250x128xf32, #tpu.memory_space<vmem>>, vector<1250x128xf32>,
    return
  }
  func.func @transform_0(%arg0: i32) -> (i32, i32) {
    %c0_i32 = arith.constant 0 : i32
    %c0_i32_0 = arith.constant 0 : i32
    %c0_i32_1 = arith.constant 0 : i32
    return %c0_i32, %c0_i32_0 : i32, i32
  }
  func.func @transform_1(%arg0: i32) -> (i32, i32) {
    %c0_i32 = arith.constant 0 : i32
    %c0_i32_0 = arith.constant 0 : i32
    return %c0_i32, %arg0 : i32, i32
  }
  func.func @transform_2(%arg0: i32) -> (i32, i32) {
    %c0_i32 = arith.constant 0 : i32
    %c0_i32_0 = arith.constant 0 : i32
    return %c0_i32, %arg0 : i32, i32
  }
  func.func @transform_3(%arg0: i32) -> (i32, i32) {
    %c0_i32 = arith.constant 0 : i32
    %c0_i32_0 = arith.constant 0 : i32
    return %c0_i32, %arg0 : i32, i32
  }
}

module attributes {stable_mosaic.version = 14 : i64} {
  func.func @_combine_body(%arg0: memref<2x1000x100xf32, #tpu.memory_space<vmem>>, %arg1: memref<1x100xf32, #tpu.memory_space<vmem>>, %arg2: memref<1000x100xf32, #tpu.memory_space<vmem>>) attributes {dimension_semantics = [], scalar_prefetch = 0 : i64, scratch_operands = 0 : i64, tpu.core_type = #tpu.core_type<tc>} {
    %get3A = arith.constant 0 : index
    %get3A_0 = arith.constant 0 : index
    %get3A_1 = arith.constant 0 : index
    %get3A_2 = vector.load %arg0[%get3A, %get3A_0, %get3A_1] : memref<2x1000x100xf32, #tpu.memory_space<vmem>>, vector<1x1000x100xf32>
    %get3A_3 = vector.shape_cast %get3A_2 : vector<1x1000x100xf32> to vector<1000x100xf32>
    %get3A_4 = arith.constant 1 : index
    %get3A_5 = arith.constant 0 : index
    %get3A_6 = arith.constant 0 : index
    %get3A_7 = vector.load %arg0[%get3A_4, %get3A_5, %get3A_6] : memref<2x1000x100xf32, #tpu.memory_space<vmem>>, vector<1x1000x100xf32>
    %get3A_8 = vector.shape_cast %get3A_7 : vector<1x1000x100xf32> to vector<1000x100xf32>
    %add3A = arith.addf %get3A_3, %get3A_8 : vector<1000x100xf32>
    %get3A_9 = arith.constant 0 : index
    %get3A_10 = arith.constant 0 : index
    %get3A_11 = vector.load %arg1[%get3A_9, %get3A_10] : memref<1x100xf32, #tpu.memory_space<vmem>>, vector<1x100xf32>
    %add3A_12 = vector.broadcast %get3A_11 : vector<1x100xf32> to vector<1000x100xf32>
    %add3A_13 = arith.addf %add3A, %add3A_12 : vector<1000x100xf32>
    %swap3A = arith.constant 0 : index
    %swap3A_14 = arith.constant 0 : index
    %swap3A_15 = vector.load %arg2[%swap3A, %swap3A_14] : memref<1000x100xf32, #tpu.memory_space<vmem>>, vector<1000x100xf32>
    tpu.vector_store %arg2[%swap3A, %swap3A_14], %add3A_13 {strides = array<i32>} : memref<1000x100xf32, #tpu.memory_space<vmem>>, vector<1000x100xf32>,
    return
  }
}

</mosaic_0001>

<sc_bundles>
// kernel: kernel.5.cloned.1.call-start
scs
__scs_entry_jumppad:
0x0: {  	(pc) =	sbr.rel $0x88, $3  }
0x1: {  	(tag) =	ssettag $0x0;
	lr =	simm.s32 $0x1  }
0x2: {  	[smem:$0x3F9A] =	sst lr;
	_ =	strace $0xD0000000  }
0x3: {  	_ = 	snop  }
0x4: {  	_ = 	snop  }
0x5: {  	_ = 	snop  }
0x6: {  	_ = 	snop  }
0x7: {  	_ = 	snop  }
__scs_overlays_trampoline_lowered:
0x8: {  	[smem:$0x3FA9] =	sst s0  }
0x9: {  	[smem:$0x3FAA] =	sst s1  }
0xa: {  	[smem:$0x3FAB] =	sst s2  }
0xb: {  	[smem:$0x3FAC] =	sst s3  }
0xc: {  	[smem:$0x3FAD] =	sst s4  }
0xd: {  	[smem:$0x3FAE] =	sst s5  }
0xe: {  	[smem:$0x3FAF] =	sst s6  }
0xf: {  	[smem:$0x3FB0] =	sst s7  }
0x10: {  	[smem:$0x3FB1] =	sst s8  }
0x11: {  	[smem:$0x3FB2] =	sst s9;
	s0 =	simm.s32 @!p0 $0x0  }
0x12: {  	s1 =	sld [smem:$0x3F98];
	s0 =	simm.s32 @p0 $0x1  }
0x13: {  	[smem:$0x3FB3] =	sst s0;
	s0 =	simm.s32 @!p1 $0x0  }
0x14: {  	s2 =	sld [smem:$0x3F97];
	s0 =	simm.s32 @p1 $0x1  }
0x15: {  	[smem:$0x3FB4] =	sst s0;
	s0 =	simm.s32 @!p2 $0x0  }
0x16: {  	s3 =	sld [smem:$0x3FDB];
	s0 =	simm.s32 @p2 $0x1  }
0x17: {  	s4 =	simm.s32 $0x1BF5;
	[smem:$0x3FB6] =	sst s0  }
0x18: {  	s0 =	sld [smem:$0x3F99];
	_ =	swait.ge [sflag:s4], $0x0  }
0x19: {  	s7 =	sld [smem:$0x3F9A]  }
0x1a: {  	s8 =	sadd.s32 $0xFFFFE003, lr  }
0x1b: {  	s9 =	sadd.s32 $0xFFFFFEF7, lr;
	s5 =	simm.s32 $0xFFFFFFFF;
	p2 =	slt.u32 s8, $0xFFFFF086  }
0x1c: {  	p1 =	slt.u32 s9, $0xF7A;
	s5 =	simm.s32 @!p2 $0x0  }
0x1d: {  	s5 =	simm.s32 @p1 $0x1;
	p0 =	seq.s32 s7, s2  }
0x1e: {  	s7 =	smul.u32 @!p0 $0xF7A, s2;
	p2 =	seq.s32 @!p0 s5, $0x0  }
0x1f: {  	s9 =	smul.u32 $0xF7A, s1;
	s8 =	simm.s32 @!p0 $0x1BF5;
	p2 =	por !p2, p0  }
0x20: {  	[sflag:s8] =	ssyncset.s32 @!p0 $0xFFFFF086;
	s6 =	sadd.s32 @!p0 s3, s7;
	s7 =	simm.s32 @!p0 $0x108  }
0x21: {  	s3 =	sadd.s32 s3, s9;
	s6 =	sadd.s32 @!p0 $0x88, s6;
	s7 =	simm.s32 @p2 $0x1082  }
0x22: {  	[simem:s7], [sflag:s8] =	dma.local @!p0 [hbm:s6], $0xF7A  }
0x23: {  	s9 =	sor.u32 $0xD0000000, s2;
	s6 =	simm.s32 $0x108;
	_ =	swait.ge @!p0 [sflag:s8], $0x0  }
0x24: {  	s3 =	sadd.s32 $0x88, s3;
	s6 =	simm.s32 @!p1 $0x1082;
	[sflag:s4] =	ssyncset.s32 $0xFFFFF086  }
0x25: {  	[simem:s6], [sflag:s4] =	dma.local [hbm:s3], $0xF7A  }
0x26: {  	[smem:$0x3F9A] =	sst s1;
	(tag) =	ssettag s2;
	_ =	strace s9  }
0x27: {  	s1 =	sld [smem:$0x3FAA]  }
0x28: {  	s2 =	sld [smem:$0x3FAB]  }
0x29: {  	s4 =	sld [smem:$0x3FAD]  }
0x2a: {  	p0 =	seq.s32 s5, $0x0;
	s5 =	sld [smem:$0x3FAE]  }
0x2b: {  	s6 =	sld [smem:$0x3FAF]  }
0x2c: {  	s7 =	sld [smem:$0x3FB0]  }
0x2d: {  	s3 =	simm.s32 $0x108;
	s8 =	sld [smem:$0x3FB1]  }
0x2e: {  	s3 =	simm.s32 @!p0 $0x1082;
	s9 =	sld [smem:$0x3FB2]  }
0x2f: {  	lr =	sadd.s32 s0, s3;
	s0 =	sld [smem:$0x3FA9]  }
0x30: {  	s3 =	sld [smem:$0x3FAC]  }
0x31: {  	[smem:$0x3FB5] =	sst s10  }
0x32: {  	s10 =	sld [smem:$0x3FB3];
	_ =	sdelay $0x3  }
0x33: {  	p0 =	seq.s32 s10, $0x1;
	s10 =	sld [smem:$0x3FB5];
	_ =	sdelay $0x3  }
0x34: {  	[smem:$0x3FB5] =	sst s10  }
0x35: {  	s10 =	sld [smem:$0x3FB4];
	_ =	sdelay $0x3  }
0x36: {  	p1 =	seq.s32 s10, $0x1;
	s10 =	sld [smem:$0x3FB5];
	_ =	sdelay $0x3  }
0x37: {  	[smem:$0x3FB5] =	sst s10  }
0x38: {  	s10 =	sld [smem:$0x3FB6]  }
0x39: {  	_ = 	snop;
	(pc) =	sbr.ind lr, $3  }
0x3a: {  	_ = 	snop  }
0x3b: {  	_ = 	snop  }
0x3c: {  	p2 =	seq.s32 s10, $0x1;
	s10 =	sld [smem:$0x3FB5]  }
0x3d: {  	_ =	shalt  }
0x3e: {  	_ =	shalt  }
0x3f: {  	_ =	shalt  }
0x40: {  	_ =	shalt  }
0x41: {  	_ =	shalt  }
0x42: {  	_ =	shalt  }
0x43: {  	_ =	shalt  }
0x44: {  	_ =	shalt  }
0x45: {  	_ =	shalt  }
0x46: {  	_ =	shalt  }
0x47: {  	_ =	shalt  }
0x48: {  	_ =	shalt  }
0x49: {  	_ =	shalt  }
0x4a: {  	_ =	shalt  }
0x4b: {  	_ =	shalt  }
0x4c: {  	_ =	shalt  }
0x4d: {  	_ =	shalt  }
0x4e: {  	_ =	shalt  }
0x4f: {  	_ =	shalt  }
0x50: {  	_ =	shalt  }
0x51: {  	_ =	shalt  }
0x52: {  	_ =	shalt  }
0x53: {  	_ =	shalt  }
0x54: {  	_ =	shalt  }
0x55: {  	_ =	shalt  }
0x56: {  	_ =	shalt  }
0x57: {  	_ =	shalt  }
0x58: {  	_ =	shalt  }
0x59: {  	_ =	shalt  }
0x5a: {  	_ =	shalt  }
0x5b: {  	_ =	shalt  }
0x5c: {  	_ =	shalt  }
0x5d: {  	_ =	shalt  }
0x5e: {  	_ =	shalt  }
0x5f: {  	_ =	shalt  }
0x60: {  	_ =	shalt  }
0x61: {  	_ =	shalt  }
0x62: {  	_ =	shalt  }
0x63: {  	_ =	shalt  }
0x64: {  	_ =	shalt  }
0x65: {  	_ =	shalt  }
0x66: {  	_ =	shalt  }
0x67: {  	_ =	shalt  }
0x68: {  	_ =	shalt  }
0x69: {  	_ =	shalt  }
0x6a: {  	_ =	shalt  }
0x6b: {  	_ =	shalt  }
0x6c: {  	_ =	shalt  }
0x6d: {  	_ =	shalt  }
0x6e: {  	_ =	shalt  }
0x6f: {  	_ =	shalt  }
0x70: {  	_ =	shalt  }
0x71: {  	_ =	shalt  }
0x72: {  	_ =	shalt  }
0x73: {  	_ =	shalt  }
0x74: {  	_ =	shalt  }
0x75: {  	_ =	shalt  }
0x76: {  	_ =	shalt  }
0x77: {  	_ =	shalt  }
0x78: {  	_ =	shalt  }
0x79: {  	_ =	shalt  }
0x7a: {  	_ =	shalt  }
0x7b: {  	_ =	shalt  }
0x7c: {  	_ =	shalt  }
0x7d: {  	_ =	shalt  }
0x7e: {  	_ =	shalt  }
0x7f: {  	_ =	shalt  }
0x80: {  	_ =	shalt  }
0x81: {  	_ =	shalt  }
0x82: {  	_ =	shalt  }
0x83: {  	_ =	shalt  }
0x84: {  	_ =	shalt  }
0x85: {  	_ =	shalt  }
0x86: {  	_ =	shalt  }
0x87: {  	_ =	shalt  }
.Lfunc_end0:
.L_simem_size_0:
called_computation_lowered:
.L_overlay_start_0:
0x88: {  	s2 =	sld [smem:$0x3FD9]  }
0x89: {  	s3 =	sld [smem:$0x3FFE];
	_ =	sdelay $0x1  }
0x8a: {  	s1 =	srdreg.scid  }
0x8b: {  	s0 =	sand.u32 $0x1, s1  }
0x8c: {  	s17 =	sshll.u32 s0, $0xA;
	s2 =	sadd.s32 s3, s2  }
0x8d: {  	s2 =	sadd.s32 s2, s17  }
0x8e: {  	[smem:$0x3FC1] =	sst s2  }
0x8f: {  	_ = 	snop  }
0x90: {  	s2 =	sld [smem:$0x3FD0];
	(tm) =	ssettm $0x1  }
0x91: {  	s18 =	sld [smem:$0x3FFB];
	_ =	sdelay $0x3  }
0x92: {  	_ =	strace s18  }
0x93: {  	s3 =	sld [smem:$0x3FFC];
	_ =	sdelay $0x3  }
0x94: {  	_ =	strace s3  }
0x95: {  	s3 =	sld [smem:$0x3FFD];
	_ =	sdelay $0x3  }
0x96: {  	_ =	strace s3  }
0x97: {  	_ =	strace $0x8FFFFFFF  }
0x98: {  	s19 =	sld [smem:$0x3FDB];
	_ =	sdelay $0x1  }
0x99: {  	s4 =	simm.s32 $_scs_section_size  }
0x9a: {  	s5 =	simm.s32 $_size__tile_overlayer_lowered;
	s6 =	simm.s32 $_tile_overlayer_lowered  }
0x9b: {  	s22 =	simm.s32 $0x1BFF;
	s21 =	sshll.u32 s6, $0x1;
	s3 =	sadd.s32 s4, s19  }
0x9c: {  	s7 =	simm.s32 $0x0;
	s20 =	sshll.u32 s5, $0x1;
	s5 =	sadd.s32 s21, s3  }
0x9d: {  	[timem:s7], [sflag:s22] =	dma.local [hbm:s5], s20  }
0x9e: {  	_ =	swait.ge [sflag:s22], s20  }
0x9f: {  	s4 =	ssub.s32 $0x0, s20;
	[sflag:s22] =	ssyncset.done $0x0  }
0xa0: {  	[sflag:s22] =	ssyncadd.s32 s4;
	_ =	sdelay $0x1  }
0xa1: {  	s23 =	simm.s32 $0x1B8B  }
0xa2: {  	_ =	swait.ge [sflag:s23], $0x1  }
0xa3: {  	[sflag:s23] =	ssyncset.done $0x0  }
0xa4: {  	s25 =	simm.s32 $0x1B8E;
	s24 =	sld [smem:$0x3FFE];
	[sflag:s23] =	ssyncadd.s32 $0xFFFFFFFF  }
0xa5: {  	s26 =	simm.s32 $execute0_lowered;
	[smem:$0x3FD2] =	sst s25  }
0xa6: {  	s5 =	sshll.u32 s26, $0x1;
	_ =	strace $0x80000046;
	[dreg:$0x1] =	wrdreg $0xFFFFFFFF  }
0xa7: {  	s28 =	simm.s32 $_size_execute0_lowered;
	s3 =	sadd.s32 s3, s5;
	[dreg:$0x0] =	wrdreg $0x0  }
0xa8: {  	s5 =	sshll.u32 s28, $0x1;
	[dreg:$0x2] =	wrdreg s3  }
0xa9: {  	[dreg:$0x3] =	wrdreg s5  }
0xaa: {  	[dreg:$0x4] =	wrdreg $0xC0  }
0xab: {  	_ =	task [dreg:s7], $0x5FFFF  }
0xac: {  	[dreg:$0x1] =	wrdreg $0xFFFFFFFF  }
0xad: {  	[dreg:$0x0] =	wrdreg $0x60  }
0xae: {  	[dreg:$0x2] =	wrdreg s24  }
0xaf: {  	[dreg:$0x3] =	wrdreg s2  }
0xb0: {  	[dreg:$0x4] =	wrdreg $0x188000  }
0xb1: {  	[dreg:$0x5] =	wrdreg $0x9  }
0xb2: {  	_ =	task.clear_ibuf [dreg:s7], $0x6FFFF;
	_ =	strace $0x90000046  }
0xb3: {  	s29 =	simm.s32 $0x9;
	_ =	strace $0x80000048  }
0xb4: {  	_ =	swait.ge [sflag:s29], $0x1  }
0xb5: {  	[sflag:s29] =	ssyncadd.s32 $0xFFFFFFFF  }
0xb6: {  	_ =	strace $0x90000048  }
0xb7: {  	_ =	sfence  }
0xb8: {  	s30 =	sld [smem:$0x0];
	_ =	sdelay $0x2  }
0xb9: {  	s31 =	sshll.u32 s1, $0xD;
	s1 =	sshrl.u32 s1, $0x2  }
0xba: {  	s3 =	sand.u32 $0x4000, s31;
	s1 =	sadd.s32 s1, s30  }
0xbb: {  	s0 =	sor.u32 s3, s0;
	s1 =	sshll.u32 s1, $0x11  }
0xbc: {  	s0 =	sor.u32 s1, s0  }
0xbd: {  	s0 =	sadd.s32 $0x8F2B, s0  }
0xbe: {  	[sflag:s0] =	ssyncadd.remote.s32 $0x1  }
0xbf: {  	_ =	sfence.sel $0xFFFF  }
0xc0: {  	[dreg:$0x0] =	wrdreg $0xFFFFFFFF;
	(pc) =	sbr.abs _section_cstart, $3  }
0xc1: {  	[dreg:$0x1] =	wrdreg $0xFFFFFFFF  }
0xc2: {  	_ =	task.clear_ibuf [dreg:s7], $0x2FFFF;
	_ =	strace $0x9FFFFFFF  }
0xc3: {  	(tm) =	ssettm $0x7FFFFFFF  }
tec
execute0_lowered:
.L_overlay_start_1:
0x0: {  	(tag) =	ssettag $0x1  }
0x1: {  	s5 =	rddreg [dreg:$0x0]  }
0x2: {  	s0 =	rddreg [dreg:$0x1];
	s1 =	srdreg.scid  }
0x3: {  	s8 =	stileid.u32;
	s2 =	rddreg [dreg:$0x2]  }
0x4: {  	s3 =	simm.s32 $0x0;
	s11 =	simm.s32 $0x80;
	s12 =	simm.s32 $0x2  }
0x5: {  	s13 =	simm.s32 $0x0;
	s4 =	sand.u32 $0x1, s1;
	s1 =	rddreg [dreg:$0x3]  }
0x6: {  	s6 =	sshll.u32 s8, $0x1;
	[smem:$0x7FF] =	sst s3;
	p0 =	sne.s32 s8, $0x0  }
0x7: {  	s8 =	simm.s32 $0xC400;
	s6 =	sor.u32 s4, s6;
	_ =	strace $0x80000047  }
0x8: {  	s7 =	ssub.s32 $0x2, s4;
	s9 =	sshll.u32 s4, $0x4;
	s6 =	smul.u32 $0x1880, s6  }
0x9: {  	s10 =	sshrl.u32 s7, $0x1;
	s31 =	sadd.s32 s9, s5;
	s9 =	sshrl.u32 @!p0 s2, $0x3  }
0xa: {  	s7 =	ssub.s32 s7, s10;
	s10 =	simm.s32 $0x1;
	s4 =	sadd.s32 s5, s6  }
0xb: {  	s6 =	sadd.s32 $0x62000, s31;
	s7 =	smax.u32 s7, $0x1;
	s5 =	sadd.s32 $0x31000, s4  }
.LBB2_1:
0xc: {  	[tilespmem:s3], [sflag:$0x1] =	stream.linear.gather [hbm4b:s5+s3], $0xC400, $0x38;
	[tilespmem:$0x1A070] =	vst v63  }
0xd: {  	s14 =	simm.s32 @!p0 $0x1C03  }
0xe: {  	[tilespmem:s8], [sflag:$0x1] =	stream.linear.gather [hbm4b:s4+s3], $0xC400, $0x38;
	[tilespmem:$0x1A070] =	vst v63  }
0xf: {  	[spmem:s9], [sflag:s14] =	dma.local @!p0 [hbm:s0], $0x30E0  }
0x10: {  	s14 =	simm.s32 @!p0 $0x3  }
0x11: {  	_ =	swait.ge @!p0 [sflag:s14], $0x30E0  }
0x12: {  	[sflag:s14] =	ssyncset.done @!p0 $0x0  }
0x13: {  	[sflag:s14] =	ssyncadd.s32 @!p0 $0xFFFFCF20  }
0x14: {  	_ =	swait.ge [sflag:s10], $0xC400  }
0x15: {  	[sflag:s10] =	ssyncset.done $0x0  }
0x16: {  	[sflag:s10] =	ssyncadd.s32 $0xFFFF3C00  }
0x17: {  	_ =	swait.ge [sflag:s10], $0xC400  }
0x18: {  	[sflag:s10] =	ssyncset.done $0x0  }
0x19: {  	[sflag:s10] =	ssyncadd.s32 $0xFFFF3C00  }
0x1a: {  	s20 =	simm.s32 $0x0;
	s15 =	simm.s32 $0xC400;
	[bflag:$0x0] =	sbarrier.arrive $0xFFFF  }
0x1b: {  	[spmem:s2] =	stream.indirect.scatter.add.f32 [tilespmem:s15], [sflag:$0x2], $0x1, s20, s11, $0xb8;
	[tilespmem:$0x1A070] =	vst v63  }
0x1c: {  	s21 =	simm.s32 $0xC480;
	s22 =	simm.s32 $0x80  }
0x1d: {  	[spmem:s2] =	stream.indirect.scatter.add.f32 [tilespmem:s21], [sflag:$0x2], $0x1, s22, s11, $0xb8;
	[tilespmem:$0x1A070] =	vst v63  }
0x1e: {  	s23 =	simm.s32 $0xC500;
	s24 =	simm.s32 $0x100  }
0x1f: {  	[spmem:s2] =	stream.indirect.scatter.add.f32 [tilespmem:s23], [sflag:$0x2], $0x1, s24, s11, $0xb8;
	[tilespmem:$0x1A070] =	vst v63  }
0x20: {  	s25 =	simm.s32 $0xC580;
	s26 =	simm.s32 $0x180  }
0x21: {  	[spmem:s2] =	stream.indirect.scatter.add.f32 [tilespmem:s25], [sflag:$0x2], $0x1, s26, s11, $0xb8;
	[tilespmem:$0x1A070] =	vst v63  }
0x22: {  	s28 =	simm.s32 $0xC600;
	s29 =	simm.s32 $0x200  }
0x23: {  	[spmem:s2] =	stream.indirect.scatter.add.f32 [tilespmem:s28], [sflag:$0x2], $0x1, s29, s11, $0xb8;
	[tilespmem:$0x1A070] =	vst v63  }
0x24: {  	s30 =	simm.s32 $0xC680;
	s31 =	simm.s32 $0x280  }
0x25: {  	[spmem:s2] =	stream.indirect.scatter.add.f32 [tilespmem:s30], [sflag:$0x2], $0x1, s31, s11, $0xb8;
	[tilespmem:$0x1A070] =	vst v63  }
0x26: {  	s16 =	simm.s32 $0x300;
	s15 =	simm.s32 $0xC700  }
0x27: {  	[spmem:s2] =	stream.indirect.scatter.add.f32 [tilespmem:s15], [sflag:$0x2], $0x1, s16, s11, $0xb8;
	[tilespmem:$0x1A070] =	vst v63  }
0x28: {  	s17 =	simm.s32 $0xC780;
	s18 =	simm.s32 $0x380  }
0x29: {  	[spmem:s2] =	stream.indirect.scatter.add.f32 [tilespmem:s17], [sflag:$0x2], $0x1, s18, s11, $0xb8;
	[tilespmem:$0x1A070] =	vst v63  }
0x2a: {  	s19 =	simm.s32 $0xC800;
	s20 =	simm.s32 $0x400  }
0x2b: {  	[spmem:s2] =	stream.indirect.scatter.add.f32 [tilespmem:s19], [sflag:$0x2], $0x1, s20, s11, $0xb8;
	[tilespmem:$0x1A070] =	vst v63  }
0x2c: {  	s21 =	simm.s32 $0xC880;
	s22 =	simm.s32 $0x480  }
0x2d: {  	[spmem:s2] =	stream.indirect.scatter.add.f32 [tilespmem:s21], [sflag:$0x2], $0x1, s22, s11, $0xb8;
	[tilespmem:$0x1A070] =	vst v63  }
0x2e: {  	s23 =	simm.s32 $0xC900;
	s24 =	simm.s32 $0x500  }
0x2f: {  	[spmem:s2] =	stream.indirect.scatter.add.f32 [tilespmem:s23], [sflag:$0x2], $0x1, s24, s11, $0xb8;
	[tilespmem:$0x1A070] =	vst v63  }
0x30: {  	s25 =	simm.s32 $0xC980;
	s26 =	simm.s32 $0x580  }
0x31: {  	[spmem:s2] =	stream.indirect.scatter.add.f32 [tilespmem:s25], [sflag:$0x2], $0x1, s26, s11, $0xb8;
	[tilespmem:$0x1A070] =	vst v63  }
0x32: {  	s28 =	simm.s32 $0xCA00;
	s29 =	simm.s32 $0x600  }
0x33: {  	[spmem:s2] =	stream.indirect.scatter.add.f32 [tilespmem:s28], [sflag:$0x2], $0x1, s29, s11, $0xb8;
	[tilespmem:$0x1A070] =	vst v63  }
0x34: {  	s30 =	simm.s32 $0xCA80;
	s31 =	simm.s32 $0x680  }
0x35: {  	[spmem:s2] =	stream.indirect.scatter.add.f32 [tilespmem:s30], [sflag:$0x2], $0x1, s31, s11, $0xb8;
	[tilespmem:$0x1A070] =	vst v63  }
0x36: {  	_ =	swait.ge [sflag:s12], $0x80  }
0x37: {  	[sflag:s12] =	ssyncset.done $0x0  }
0x38: {  	[sflag:s12] =	ssyncadd.s32 $0xFFFFFF80  }
0x39: {  	_ =	swait.ge [sflag:s12], $0x80  }
0x3a: {  	[sflag:s12] =	ssyncset.done $0x0  }
0x3b: {  	[sflag:s12] =	ssyncadd.s32 $0xFFFFFF80  }
0x3c: {  	_ =	swait.ge [sflag:s12], $0x80  }
0x3d: {  	[sflag:s12] =	ssyncset.done $0x0  }
0x3e: {  	[sflag:s12] =	ssyncadd.s32 $0xFFFFFF80  }
0x3f: {  	_ =	swait.ge [sflag:s12], $0x80  }
0x40: {  	[sflag:s12] =	ssyncset.done $0x0  }
0x41: {  	[sflag:s12] =	ssyncadd.s32 $0xFFFFFF80  }
0x42: {  	_ =	swait.ge [sflag:s12], $0x80  }
0x43: {  	[sflag:s12] =	ssyncset.done $0x0  }
0x44: {  	[sflag:s12] =	ssyncadd.s32 $0xFFFFFF80  }
0x45: {  	_ =	swait.ge [sflag:s12], $0x80  }
0x46: {  	[sflag:s12] =	ssyncset.done $0x0  }
0x47: {  	[sflag:s12] =	ssyncadd.s32 $0xFFFFFF80  }
0x48: {  	_ =	swait.ge [sflag:s12], $0x80  }
0x49: {  	[sflag:s12] =	ssyncset.done $0x0  }
0x4a: {  	[sflag:s12] =	ssyncadd.s32 $0xFFFFFF80  }
0x4b: {  	_ =	swait.ge [sflag:s12], $0x80  }
0x4c: {  	[sflag:s12] =	ssyncset.done $0x0  }
0x4d: {  	[sflag:s12] =	ssyncadd.s32 $0xFFFFFF80  }
0x4e: {  	_ =	swait.ge [sflag:s12], $0x80  }
0x4f: {  	[sflag:s12] =	ssyncset.done $0x0  }
0x50: {  	[sflag:s12] =	ssyncadd.s32 $0xFFFFFF80  }
0x51: {  	_ =	swait.ge [sflag:s12], $0x80  }
0x52: {  	[sflag:s12] =	ssyncset.done $0x0  }
0x53: {  	[sflag:s12] =	ssyncadd.s32 $0xFFFFFF80  }
0x54: {  	_ =	swait.ge [sflag:s12], $0x80  }
0x55: {  	[sflag:s12] =	ssyncset.done $0x0  }
0x56: {  	[sflag:s12] =	ssyncadd.s32 $0xFFFFFF80  }
0x57: {  	_ =	swait.ge [sflag:s12], $0x80  }
0x58: {  	[sflag:s12] =	ssyncset.done $0x0  }
0x59: {  	[sflag:s12] =	ssyncadd.s32 $0xFFFFFF80  }
0x5a: {  	_ =	swait.ge [sflag:s12], $0x80  }
0x5b: {  	[sflag:s12] =	ssyncset.done $0x0  }
0x5c: {  	[sflag:s12] =	ssyncadd.s32 $0xFFFFFF80  }
0x5d: {  	_ =	swait.ge [sflag:s12], $0x80  }
0x5e: {  	s16 =	simm.s32 $0x700;
	s17 =	simm.s32 $0x3800;
	[sflag:s12] =	ssyncset.done $0x0  }
.LBB2_2:
0x5f: {  	s18 =	sadd.s32 $0xC400, s16  }
0x60: {  	[sflag:s12] =	ssyncadd.s32 $0xFFFFFF80;
	s15 =	smov.u32 s17;
	s14 =	sadd.s32 $0x1C00, s17  }
0x61: {  	[spmem:s2] =	stream.indirect.scatter.add.f32 [tilespmem:s18], [sflag:$0x2], $0x1, s16, s11, $0xb8;
	[tilespmem:$0x1A070] =	vst v63  }
0x62: {  	p1 =	sne.s32 s17, $0x2F400;
	s17 =	sadd.s32 $0xC480, s16;
	s18 =	sadd.s32 $0x80, s16  }
0x63: {  	[spmem:s2] =	stream.indirect.scatter.add.f32 [tilespmem:s17], [sflag:$0x2], $0x1, s18, s11, $0xb8;
	[tilespmem:$0x1A070] =	vst v63  }
0x64: {  	s17 =	sadd.s32 $0xC500, s16;
	s18 =	sadd.s32 $0x100, s16  }
0x65: {  	[spmem:s2] =	stream.indirect.scatter.add.f32 [tilespmem:s17], [sflag:$0x2], $0x1, s18, s11, $0xb8;
	[tilespmem:$0x1A070] =	vst v63  }
0x66: {  	s17 =	sadd.s32 $0xC580, s16;
	s18 =	sadd.s32 $0x180, s16  }
0x67: {  	[spmem:s2] =	stream.indirect.scatter.add.f32 [tilespmem:s17], [sflag:$0x2], $0x1, s18, s11, $0xb8;
	[tilespmem:$0x1A070] =	vst v63  }
0x68: {  	s17 =	sadd.s32 $0xC600, s16;
	s18 =	sadd.s32 $0x200, s16  }
0x69: {  	[spmem:s2] =	stream.indirect.scatter.add.f32 [tilespmem:s17], [sflag:$0x2], $0x1, s18, s11, $0xb8;
	[tilespmem:$0x1A070] =	vst v63  }
0x6a: {  	s17 =	sadd.s32 $0xC680, s16;
	s18 =	sadd.s32 $0x280, s16  }
0x6b: {  	[spmem:s2] =	stream.indirect.scatter.add.f32 [tilespmem:s17], [sflag:$0x2], $0x1, s18, s11, $0xb8;
	[tilespmem:$0x1A070] =	vst v63  }
0x6c: {  	s17 =	sadd.s32 $0xC700, s16;
	s18 =	sadd.s32 $0x300, s16  }
0x6d: {  	[spmem:s2] =	stream.indirect.scatter.add.f32 [tilespmem:s17], [sflag:$0x2], $0x1, s18, s11, $0xb8;
	[tilespmem:$0x1A070] =	vst v63  }
0x6e: {  	s17 =	sadd.s32 $0xC780, s16;
	s18 =	sadd.s32 $0x380, s16  }
0x6f: {  	[spmem:s2] =	stream.indirect.scatter.add.f32 [tilespmem:s17], [sflag:$0x2], $0x1, s18, s11, $0xb8;
	[tilespmem:$0x1A070] =	vst v63  }
0x70: {  	s17 =	sadd.s32 $0xC800, s16;
	s18 =	sadd.s32 $0x400, s16  }
0x71: {  	[spmem:s2] =	stream.indirect.scatter.add.f32 [tilespmem:s17], [sflag:$0x2], $0x1, s18, s11, $0xb8;
	[tilespmem:$0x1A070] =	vst v63  }
0x72: {  	s17 =	sadd.s32 $0xC880, s16;
	s18 =	sadd.s32 $0x480, s16  }
0x73: {  	[spmem:s2] =	stream.indirect.scatter.add.f32 [tilespmem:s17], [sflag:$0x2], $0x1, s18, s11, $0xb8;
	[tilespmem:$0x1A070] =	vst v63  }
0x74: {  	s17 =	sadd.s32 $0xC900, s16;
	s18 =	sadd.s32 $0x500, s16  }
0x75: {  	[spmem:s2] =	stream.indirect.scatter.add.f32 [tilespmem:s17], [sflag:$0x2], $0x1, s18, s11, $0xb8;
	[tilespmem:$0x1A070] =	vst v63  }
0x76: {  	s17 =	sadd.s32 $0xC980, s16;
	s18 =	sadd.s32 $0x580, s16  }
0x77: {  	[spmem:s2] =	stream.indirect.scatter.add.f32 [tilespmem:s17], [sflag:$0x2], $0x1, s18, s11, $0xb8;
	[tilespmem:$0x1A070] =	vst v63  }
0x78: {  	s17 =	sadd.s32 $0xCA00, s16;
	s18 =	sadd.s32 $0x600, s16  }
0x79: {  	[spmem:s2] =	stream.indirect.scatter.add.f32 [tilespmem:s17], [sflag:$0x2], $0x1, s18, s11, $0xb8;
	[tilespmem:$0x1A070] =	vst v63  }
0x7a: {  	s17 =	sadd.s32 $0xCA80, s16;
	s16 =	sadd.s32 $0x680, s16  }
0x7b: {  	[spmem:s2] =	stream.indirect.scatter.add.f32 [tilespmem:s17], [sflag:$0x2], $0x1, s16, s11, $0xb8;
	[tilespmem:$0x1A070] =	vst v63  }
0x7c: {  	_ =	swait.ge [sflag:s12], $0x80  }
0x7d: {  	[sflag:s12] =	ssyncset.done $0x0  }
0x7e: {  	[sflag:s12] =	ssyncadd.s32 $0xFFFFFF80  }
0x7f: {  	_ =	swait.ge [sflag:s12], $0x80  }
0x80: {  	[sflag:s12] =	ssyncset.done $0x0  }
0x81: {  	[sflag:s12] =	ssyncadd.s32 $0xFFFFFF80  }
0x82: {  	_ =	swait.ge [sflag:s12], $0x80  }
0x83: {  	[sflag:s12] =	ssyncset.done $0x0  }
0x84: {  	[sflag:s12] =	ssyncadd.s32 $0xFFFFFF80  }
0x85: {  	_ =	swait.ge [sflag:s12], $0x80  }
0x86: {  	[sflag:s12] =	ssyncset.done $0x0  }
0x87: {  	[sflag:s12] =	ssyncadd.s32 $0xFFFFFF80  }
0x88: {  	_ =	swait.ge [sflag:s12], $0x80  }
0x89: {  	[sflag:s12] =	ssyncset.done $0x0  }
0x8a: {  	[sflag:s12] =	ssyncadd.s32 $0xFFFFFF80  }
0x8b: {  	_ =	swait.ge [sflag:s12], $0x80  }
0x8c: {  	[sflag:s12] =	ssyncset.done $0x0  }
0x8d: {  	[sflag:s12] =	ssyncadd.s32 $0xFFFFFF80  }
0x8e: {  	_ =	swait.ge [sflag:s12], $0x80  }
0x8f: {  	[sflag:s12] =	ssyncset.done $0x0  }
0x90: {  	[sflag:s12] =	ssyncadd.s32 $0xFFFFFF80  }
0x91: {  	_ =	swait.ge [sflag:s12], $0x80  }
0x92: {  	[sflag:s12] =	ssyncset.done $0x0  }
0x93: {  	[sflag:s12] =	ssyncadd.s32 $0xFFFFFF80  }
0x94: {  	_ =	swait.ge [sflag:s12], $0x80  }
0x95: {  	[sflag:s12] =	ssyncset.done $0x0  }
0x96: {  	[sflag:s12] =	ssyncadd.s32 $0xFFFFFF80  }
0x97: {  	_ =	swait.ge [sflag:s12], $0x80  }
0x98: {  	[sflag:s12] =	ssyncset.done $0x0  }
0x99: {  	[sflag:s12] =	ssyncadd.s32 $0xFFFFFF80  }
0x9a: {  	_ =	swait.ge [sflag:s12], $0x80  }
0x9b: {  	[sflag:s12] =	ssyncset.done $0x0  }
0x9c: {  	[sflag:s12] =	ssyncadd.s32 $0xFFFFFF80  }
0x9d: {  	_ =	swait.ge [sflag:s12], $0x80  }
0x9e: {  	[sflag:s12] =	ssyncset.done $0x0  }
0x9f: {  	[sflag:s12] =	ssyncadd.s32 $0xFFFFFF80  }
.Ltmp0:
0xa0: {  	_ =	swait.ge [sflag:s12], $0x80;
	(pc) =	sbr.rel @p1 .LBB2_2-.Ltmp0, $4  }
0xa1: {  	[sflag:s12] =	ssyncset.done $0x0  }
0xa2: {  	[sflag:s12] =	ssyncadd.s32 $0xFFFFFF80  }
0xa3: {  	_ =	swait.ge [sflag:s12], $0x80  }
0xa4: {  	s16 =	sshra.s32 s15, $0x2;
	s17 =	smov.u32 s14;
	[sflag:s12] =	ssyncset.done $0x0  }
0xa5: {  	s14 =	sadd.s32 $0xC400, s16;
	[sflag:s12] =	ssyncadd.s32 $0xFFFFFF80  }
0xa6: {  	[spmem:s2] =	stream.indirect.scatter.add.f32 [tilespmem:s14], [sflag:$0x2], $0x1, s16, s11, $0xb8;
	[tilespmem:$0x1A070] =	vst v63  }
0xa7: {  	s20 =	sadd.s32 $0xC480, s16;
	s15 =	sadd.s32 $0x80, s16  }
0xa8: {  	[spmem:s2] =	stream.indirect.scatter.add.f32 [tilespmem:s20], [sflag:$0x2], $0x1, s15, s11, $0xb8;
	[tilespmem:$0x1A070] =	vst v63  }
0xa9: {  	s21 =	sadd.s32 $0xC500, s16;
	s22 =	sadd.s32 $0x100, s16  }
0xaa: {  	[spmem:s2] =	stream.indirect.scatter.add.f32 [tilespmem:s21], [sflag:$0x2], $0x1, s22, s11, $0xb8;
	[tilespmem:$0x1A070] =	vst v63  }
0xab: {  	s23 =	sadd.s32 $0xC580, s16;
	s24 =	sadd.s32 $0x180, s16  }
0xac: {  	[spmem:s2] =	stream.indirect.scatter.add.f32 [tilespmem:s23], [sflag:$0x2], $0x1, s24, s11, $0xb8;
	[tilespmem:$0x1A070] =	vst v63  }
0xad: {  	s25 =	sadd.s32 $0xC600, s16;
	s26 =	sadd.s32 $0x200, s16  }
0xae: {  	[spmem:s2] =	stream.indirect.scatter.add.f32 [tilespmem:s25], [sflag:$0x2], $0x1, s26, s11, $0xb8;
	[tilespmem:$0x1A070] =	vst v63  }
0xaf: {  	s28 =	sadd.s32 $0xC680, s16;
	s29 =	sadd.s32 $0x280, s16  }
0xb0: {  	[spmem:s2] =	stream.indirect.scatter.add.f32 [tilespmem:s28], [sflag:$0x2], $0x1, s29, s11, $0xb8;
	[tilespmem:$0x1A070] =	vst v63  }
0xb1: {  	s30 =	sadd.s32 $0xC700, s16;
	s31 =	sadd.s32 $0x300, s16  }
0xb2: {  	[spmem:s2] =	stream.indirect.scatter.add.f32 [tilespmem:s30], [sflag:$0x2], $0x1, s31, s11, $0xb8;
	[tilespmem:$0x1A070] =	vst v63  }
0xb3: {  	s17 =	sadd.s32 $0xC780, s16;
	s18 =	sadd.s32 $0x380, s16  }
0xb4: {  	[spmem:s2] =	stream.indirect.scatter.add.f32 [tilespmem:s17], [sflag:$0x2], $0x1, s18, s11, $0xb8;
	[tilespmem:$0x1A070] =	vst v63  }
0xb5: {  	s19 =	sadd.s32 $0xC800, s16;
	s20 =	sadd.s32 $0x400, s16  }
0xb6: {  	[spmem:s2] =	stream.indirect.scatter.add.f32 [tilespmem:s19], [sflag:$0x2], $0x1, s20, s11, $0xb8;
	[tilespmem:$0x1A070] =	vst v63  }
0xb7: {  	s21 =	sadd.s32 $0xC880, s16;
	s22 =	sadd.s32 $0x480, s16  }
0xb8: {  	[spmem:s2] =	stream.indirect.scatter.add.f32 [tilespmem:s21], [sflag:$0x2], $0x1, s22, s11, $0xb8;
	[tilespmem:$0x1A070] =	vst v63  }
0xb9: {  	s23 =	sadd.s32 $0xC900, s16;
	s24 =	sadd.s32 $0x500, s16  }
0xba: {  	[spmem:s2] =	stream.indirect.scatter.add.f32 [tilespmem:s23], [sflag:$0x2], $0x1, s24, s11, $0xb8;
	[tilespmem:$0x1A070] =	vst v63  }
0xbb: {  	s25 =	sadd.s32 $0xC980, s16;
	s26 =	sadd.s32 $0x580, s16  }
0xbc: {  	[spmem:s2] =	stream.indirect.scatter.add.f32 [tilespmem:s25], [sflag:$0x2], $0x1, s26, s11, $0xb8;
	[tilespmem:$0x1A070] =	vst v63  }
0xbd: {  	s28 =	sadd.s32 $0xCA00, s16;
	s29 =	sadd.s32 $0x600, s16  }
0xbe: {  	[spmem:s2] =	stream.indirect.scatter.add.f32 [tilespmem:s28], [sflag:$0x2], $0x1, s29, s11, $0xb8;
	[tilespmem:$0x1A070] =	vst v63  }
0xbf: {  	s30 =	sadd.s32 $0xCA80, s16;
	s31 =	sadd.s32 $0x680, s16  }
0xc0: {  	[spmem:s2] =	stream.indirect.scatter.add.f32 [tilespmem:s30], [sflag:$0x2], $0x1, s31, s11, $0xb8;
	[tilespmem:$0x1A070] =	vst v63  }
0xc1: {  	_ =	swait.ge [sflag:s12], $0x80  }
0xc2: {  	[sflag:s12] =	ssyncset.done $0x0  }
0xc3: {  	[sflag:s12] =	ssyncadd.s32 $0xFFFFFF80  }
0xc4: {  	_ =	swait.ge [sflag:s12], $0x80  }
0xc5: {  	[sflag:s12] =	ssyncset.done $0x0  }
0xc6: {  	[sflag:s12] =	ssyncadd.s32 $0xFFFFFF80  }
0xc7: {  	_ =	swait.ge [sflag:s12], $0x80  }
0xc8: {  	[sflag:s12] =	ssyncset.done $0x0  }
0xc9: {  	[sflag:s12] =	ssyncadd.s32 $0xFFFFFF80  }
0xca: {  	_ =	swait.ge [sflag:s12], $0x80  }
0xcb: {  	[sflag:s12] =	ssyncset.done $0x0  }
0xcc: {  	[sflag:s12] =	ssyncadd.s32 $0xFFFFFF80  }
0xcd: {  	_ =	swait.ge [sflag:s12], $0x80  }
0xce: {  	[sflag:s12] =	ssyncset.done $0x0  }
0xcf: {  	[sflag:s12] =	ssyncadd.s32 $0xFFFFFF80  }
0xd0: {  	_ =	swait.ge [sflag:s12], $0x80  }
0xd1: {  	[sflag:s12] =	ssyncset.done $0x0  }
0xd2: {  	[sflag:s12] =	ssyncadd.s32 $0xFFFFFF80  }
0xd3: {  	_ =	swait.ge [sflag:s12], $0x80  }
0xd4: {  	[sflag:s12] =	ssyncset.done $0x0  }
0xd5: {  	[sflag:s12] =	ssyncadd.s32 $0xFFFFFF80  }
0xd6: {  	_ =	swait.ge [sflag:s12], $0x80  }
0xd7: {  	[sflag:s12] =	ssyncset.done $0x0  }
0xd8: {  	[sflag:s12] =	ssyncadd.s32 $0xFFFFFF80  }
0xd9: {  	_ =	swait.ge [sflag:s12], $0x80  }
0xda: {  	[sflag:s12] =	ssyncset.done $0x0  }
0xdb: {  	[sflag:s12] =	ssyncadd.s32 $0xFFFFFF80  }
0xdc: {  	_ =	swait.ge [sflag:s12], $0x80  }
0xdd: {  	[sflag:s12] =	ssyncset.done $0x0  }
0xde: {  	[sflag:s12] =	ssyncadd.s32 $0xFFFFFF80  }
0xdf: {  	_ =	swait.ge [sflag:s12], $0x80  }
0xe0: {  	[sflag:s12] =	ssyncset.done $0x0  }
0xe1: {  	[sflag:s12] =	ssyncadd.s32 $0xFFFFFF80  }
0xe2: {  	_ =	swait.ge [sflag:s12], $0x80  }
0xe3: {  	[sflag:s12] =	ssyncset.done $0x0  }
0xe4: {  	[sflag:s12] =	ssyncadd.s32 $0xFFFFFF80  }
0xe5: {  	_ =	swait.ge [sflag:s12], $0x80  }
0xe6: {  	[sflag:s12] =	ssyncset.done $0x0  }
0xe7: {  	[sflag:s12] =	ssyncadd.s32 $0xFFFFFF80  }
0xe8: {  	_ =	swait.ge [sflag:s12], $0x80  }
0xe9: {  	s13 =	sadd.s32 $0x1, s13;
	s14 =	simm.s32 @!p0 $0x1;
	[sflag:s12] =	ssyncset.done $0x0  }
0xea: {  	p1 =	sne.s32 s13, s7;
	s15 =	simm.s32 @!p0 $0x20;
	[sflag:s12] =	ssyncadd.s32 $0xFFFFFF80  }
0xeb: {  	s16 =	simm.s32 @!p0 $0x10;
	s17 =	simm.s32 @!p0 $0x1C03;
	[bflag:$0x0] =	sbarrier.arrive $0xFFFF  }
0xec: {  	[hbm:s6@s15], [sflag:s17] =	dma.strided @!p0 [spmem:s9@s16], $0x30E0, s14, $0x10   }
.Ltmp1:
0xed: {  	_ = 	snop;
	(pc) =	sbr.rel @p1 .LBB2_1-.Ltmp1, $4  }
0xee: {  	s14 =	simm.s32 @!p0 $0x3  }
0xef: {  	_ =	swait.ge @!p0 [sflag:s14], $0x30E0  }
0xf0: {  	[sflag:s14] =	ssyncset.done @!p0 $0x0  }
0xf1: {  	[sflag:s14] =	ssyncadd.s32 @!p0 $0xFFFFCF20  }
0xf2: {  	_ =	sfence.sel $0x180000  }
0xf3: {  	[bflag:$0x0] =	sbarrier.arrive $0xFFFF  }
0xf4: {  	_ =	strace $0x90000047  }
0xf5: {  	s0 =	sadd.s32 @!p0 $0x100000, s1;
	[bflag:$0x2] =	sbarrier.arrive $0xFFFF  }
0xf6: {  	[sflag:s0] =	ssyncadd.tile.s32 @!p0 $0x1;
	_ =	shalt  }
.Lfunc_end2:
_tile_overlayer_lowered:
.L_overlay_start_2:
0xf7: {  	(tag) =	ssettag $0x2  }
0xf8: {  	s0 =	rddreg [dreg:$0x0];
	s2 =	stileid.u32  }
0xf9: {  	s1 =	rddreg [dreg:$0x1];
	p0 =	sne.s32 s2, $0x0  }
0xfa: {  	s3 =	rddreg [dreg:$0x2];
	[bflag:$0x3] =	sbarrier.arrive $0xFFFF;
	s2 =	simm.s32 @!p0 $0x1C03  }
0xfb: {  	[timem:s3], [sflag:s2] =	dma.local @!p0 [hbm:s0], s1  }
0xfc: {  	s0 =	simm.s32 @!p0 $0x3  }
0xfd: {  	_ =	swait.ge @!p0 [sflag:s0], s1  }
0xfe: {  	s1 =	ssub.s32 @!p0 $0x0, s1;
	[sflag:s0] =	ssyncset.done @!p0 $0x0  }
0xff: {  	[sflag:s0] =	ssyncadd.s32 @!p0 s1  }
0x100: {  	[bflag:$0x3] =	sbarrier.arrive $0xFFFF  }
0x101: {  	_ =	shalt  }

</sc_bundles>
